<compile_context>
chip_gen: v7x
topology: tpu7x:2x2x1
jax: 0.10.2.dev20260603
libtpu: 0.0.44.dev20260713+nightly
codegen_flags: <defaults>
</compile_context>

<pallas_src>
import jax
import jax.numpy as jnp
from jax import lax
from jax.experimental import pallas as pl
from jax.experimental.pallas import tpu as pltpu
from jax.experimental.pallas import tpu_sc as plsc

B = 16384
F = 26
V = 100000
NC = 2
NS = 16
NW = NC * NS
BPW = B // NW
IPW = F * BPW
GN = 16 * BPW
U = 4


def _sc_body(x_hbm, w_hbm, bias_hbm, out_hbm,
             idx_v, vals_v, g_v, g2d_v, out_v, bias_v, spm, sem):
    sid = lax.axis_index("s")
    wid = sid * NC + lax.axis_index("c")
    pltpu.sync_copy(x_hbm.at[wid], idx_v)
    pltpu.sync_copy(bias_hbm, bias_v)

    pltpu.async_copy(w_hbm.at[idx_v], vals_v.at[pl.ds(0, IPW)], sem).wait()

    zeros = jnp.zeros((16,), jnp.float32)
    vals_v[pl.ds(IPW, 16)] = zeros
    g_v[pl.ds(GN, 16)] = zeros
    mask10 = jnp.where(lax.iota(jnp.int32, 16) < (F - 16), 1.0, 0.0)
    bias_vec = bias_v[...]

    def fold(gi, carry):
        for u in range(U):
            j = gi * U + u
            va = vals_v[pl.ds(j * F, 16)]
            vb = vals_v[pl.ds(j * F + 16, 16)]
            g_v[pl.ds(j * 16, 16)] = va + vb * mask10
        return carry
    lax.fori_loop(0, BPW // U, fold, 0)

    for d in (8, 4, 2):
        def level(gi, carry, d=d):
            for u in range(U):
                base = (gi * U + u) * 16
                va = g_v[pl.ds(base, 16)]
                vb = g_v[pl.ds(base + d, 16)]
                g_v[pl.ds(base, 16)] = va + vb
            return carry
        lax.fori_loop(0, BPW // U, level, 0)

    def last(gi, carry):
        for u in range(U):
            i = gi * U + u
            va = g_v[pl.ds(i * 16, 16)]
            vb = g_v[pl.ds(i * 16 + 1, 16)]
            g2d_v[i, :] = va + vb + bias_vec
        return carry
    lax.fori_loop(0, BPW // U, last, 0)

    pltpu.sync_copy(g2d_v.at[:, 0], spm.at[pl.ds(sid * BPW, BPW)])
    pltpu.sync_copy(spm.at[pl.ds(sid * BPW, BPW)], out_v)
    pltpu.sync_copy(out_v, out_hbm.at[wid])


def kernel(x_sparse, W, bias):
    xf = x_sparse.astype(jnp.int32) + jnp.arange(F, dtype=jnp.int32) * V
    x2 = xf.reshape(NW, IPW)
    wflat = W.reshape(-1)
    bias16 = jnp.broadcast_to(bias.astype(jnp.float32), (16,))
    mesh = plsc.VectorSubcoreMesh(core_axis_name="c", subcore_axis_name="s")
    out = pl.kernel(
        _sc_body,
        out_type=jax.ShapeDtypeStruct((NW, BPW), jnp.float32),
        mesh=mesh,
        scratch_types=[
            pltpu.VMEM((IPW,), jnp.int32),
            pltpu.VMEM((IPW + 16,), jnp.float32),
            pltpu.VMEM((GN + 16,), jnp.float32),
            pltpu.VMEM((BPW, 16), jnp.float32),
            pltpu.VMEM((BPW,), jnp.float32),
            pltpu.VMEM((16,), jnp.float32),
            pltpu.VMEM_SHARED((NS * BPW,), jnp.float32),
            pltpu.SemaphoreType.DMA,
        ],
    )(x2, wflat, bias16)
    return out.reshape(B, 1)

# --- scband reference (transcript-rebuilt; emitter-appended) ---
"""Pipeline reference for scband-sparse-linear-30709016166882 (READ-ONLY COPY).

The authoritative reference and input builder live on the scoring server;
editing this copy changes nothing except your own understanding.
"""

import jax, jax.numpy as jnp
import numpy as np

B = 16384
F = 26
V = 100000

def setup_inputs(seed: int = 0) -> dict:
    key = jax.random.key(seed)
    k1, k2, k3 = jax.random.split(key, 3)
    x_sparse = jax.random.randint(k1, (B, F), 0, V, dtype=jnp.int64)
    # Per-field embedding tables with embedding_dim=1, stacked: W[f, v] is the scalar weight
    W = jax.random.normal(k2, (F, V), dtype=jnp.float32) * 0.01
    bias = jnp.zeros((1,), dtype=jnp.float32)
    return {"x_sparse": x_sparse, "W": W, "bias": bias}

def reference(x_sparse, W, bias):
    # out = bias + sum_i emb_i(x_sparse[:, i]); each emb has output dim 1
    field_idx = jnp.arange(F, dtype=x_sparse.dtype)[None, :]  # [1, F]
    gathered = W[field_idx, x_sparse]  # [B, F] gather per field
    out = bias.reshape(1, 1) + jnp.sum(gathered, axis=1, keepdims=True)  # [B, 1]
    return out

if __name__ == "__main__":
    import jax
    _d = setup_inputs()
    print(jax.jit(kernel)(*tuple(_d.values())))

</pallas_src>

<mosaic_0001>
#map = affine_map<(d0, d1) -> (0, 0)>
#map1 = affine_map<(d0, d1) -> (0)>
module attributes {stable_mosaic.version = 14 : i64} {
  func.func @_sc_body(%arg0: i32, %arg1: i32, %arg2: memref<32x13312xi32, #tpu.memory_space<hbm>>, %arg3: memref<2600000xf32, #tpu.memory_space<hbm>>, %arg4: memref<16xf32, #tpu.memory_space<hbm>>, %arg5: memref<32x512xf32, #tpu.memory_space<hbm>>, %arg6: memref<13312xi32, #tpu.memory_space<vmem>>, %arg7: memref<13328xf32, #tpu.memory_space<vmem>>, %arg8: memref<8208xf32, #tpu.memory_space<vmem>>, %arg9: memref<512x16xf32, #tpu.memory_space<vmem>>, %arg10: memref<512xf32, #tpu.memory_space<vmem>>, %arg11: memref<16xf32, #tpu.memory_space<vmem>>, %arg12: memref<8192xf32, #tpu.memory_space<vmem_shared>>, %arg13: memref<!tpu.dma_semaphore, #tpu.memory_space<semaphore_mem>>) attributes {dimension_semantics = [#tpu.dimension_semantics<core_parallel>, #tpu.dimension_semantics<subcore_parallel>], iteration_bounds = array<i64: 2, 16>, scalar_prefetch = 0 : i64, scratch_operands = 8 : i64, tpu.core_type = #tpu.core_type<sc_vector_subcore>, window_params = [{transform_indices = #map}, {transform_indices = #map1}, {transform_indices = #map1}, {transform_indices = #map}]} {
    %mul3A = arith.constant 2 : i32
    %mul3A_0 = arith.muli %arg1, %mul3A : i32
    %add3A = arith.addi %mul3A_0, %arg0 : i32
    "tpu.region"() ({
      %run_scoped3A_55 = tpu.sem_alloc : memref<!tpu.dma_semaphore, #tpu.memory_space<semaphore_mem>>
      %dma_start3A_56 = arith.constant 0 : i32
      %dma_start3A_57 = tpu.memref_slice %arg2[%add3A, %dma_start3A_56] : memref<32x13312xi32, #tpu.memory_space<hbm>> -> memref<1x13312xi32, #tpu.memory_space<hbm>>
      %dma_start3A_58 = tpu.memref_squeeze %dma_start3A_57 : memref<1x13312xi32, #tpu.memory_space<hbm>> -> memref<13312xi32, #tpu.memory_space<hbm>>
      %dma_start3A_59 = arith.constant 0 : i32
      %dma_start3A_60 = tpu.memref_slice %arg2[%add3A, %dma_start3A_59] : memref<32x13312xi32, #tpu.memory_space<hbm>> -> memref<1x13312xi32, #tpu.memory_space<hbm>>
      %dma_start3A_61 = tpu.memref_squeeze %dma_start3A_60 : memref<1x13312xi32, #tpu.memory_space<hbm>> -> memref<13312xi32, #tpu.memory_space<hbm>>
      tpu.enqueue_dma source(%dma_start3A_61 : memref<13312xi32, #tpu.memory_space<hbm>>) target(%arg6 : memref<13312xi32, #tpu.memory_space<vmem>>) target_semaphore(%run_scoped3A_55 : memref<!tpu.dma_semaphore, #tpu.memory_space<semaphore_mem>>)
      %dma_wait3A_62 = arith.constant 0 : i32
      %dma_wait3A_63 = tpu.memref_slice %arg2[%add3A, %dma_wait3A_62] : memref<32x13312xi32, #tpu.memory_space<hbm>> -> memref<1x13312xi32, #tpu.memory_space<hbm>>
      %dma_wait3A_64 = tpu.memref_squeeze %dma_wait3A_63 : memref<1x13312xi32, #tpu.memory_space<hbm>> -> memref<13312xi32, #tpu.memory_space<hbm>>
      %dma_wait3A_65 = arith.constant 0 : i32
      %dma_wait3A_66 = tpu.memref_slice %arg2[%add3A, %dma_wait3A_65] : memref<32x13312xi32, #tpu.memory_space<hbm>> -> memref<1x13312xi32, #tpu.memory_space<hbm>>
      %dma_wait3A_67 = tpu.memref_squeeze %dma_wait3A_66 : memref<1x13312xi32, #tpu.memory_space<hbm>> -> memref<13312xi32, #tpu.memory_space<hbm>>
      tpu.wait_dma2 semaphore(%run_scoped3A_55 : memref<!tpu.dma_semaphore, #tpu.memory_space<semaphore_mem>>) src(%dma_wait3A_67 : memref<13312xi32, #tpu.memory_space<hbm>>) dst(%arg6 : memref<13312xi32, #tpu.memory_space<vmem>>)
      tpu.yield
    }) : () -> ()
    "tpu.region"() ({
      %run_scoped3A_55 = tpu.sem_alloc : memref<!tpu.dma_semaphore, #tpu.memory_space<semaphore_mem>>
      tpu.enqueue_dma source(%arg4 : memref<16xf32, #tpu.memory_space<hbm>>) target(%arg11 : memref<16xf32, #tpu.memory_space<vmem>>) target_semaphore(%run_scoped3A_55 : memref<!tpu.dma_semaphore, #tpu.memory_space<semaphore_mem>>)
      tpu.wait_dma2 semaphore(%run_scoped3A_55 : memref<!tpu.dma_semaphore, #tpu.memory_space<semaphore_mem>>) src(%arg4 : memref<16xf32, #tpu.memory_space<hbm>>) dst(%arg11 : memref<16xf32, #tpu.memory_space<vmem>>)
      tpu.yield
    }) : () -> ()
    %dma_start3A = arith.constant 0 : i32
    %dma_start3A_1 = tpu.memref_slice %arg7[%dma_start3A] : memref<13328xf32, #tpu.memory_space<vmem>> -> memref<13312xf32, #tpu.memory_space<vmem>>
    %dma_start3A_2 = arith.constant 0 : i32
    %dma_start3A_3 = tpu.memref_slice %arg3[%dma_start3A_2] : memref<2600000xf32, #tpu.memory_space<hbm>> -> memref<2600000xf32, #tpu.memory_space<hbm>>
    tpu.enqueue_indirect_dma source(%dma_start3A_3 : memref<2600000xf32, #tpu.memory_space<hbm>>) target(%dma_start3A_1 : memref<13312xf32, #tpu.memory_space<vmem>>) offsets(%arg6 : memref<13312xi32, #tpu.memory_space<vmem>>) semaphore(%arg13 : memref<!tpu.dma_semaphore, #tpu.memory_space<semaphore_mem>>)
    %dma_wait3A = arith.constant 0 : i32
    %dma_wait3A_4 = tpu.memref_slice %arg7[%dma_wait3A] : memref<13328xf32, #tpu.memory_space<vmem>> -> memref<13312xf32, #tpu.memory_space<vmem>>
    %dma_wait3A_5 = arith.constant 0 : i32
    %dma_wait3A_6 = tpu.memref_slice %arg3[%dma_wait3A_5] : memref<2600000xf32, #tpu.memory_space<hbm>> -> memref<2600000xf32, #tpu.memory_space<hbm>>
    tpu.wait_indirect_dma semaphore(%arg13 : memref<!tpu.dma_semaphore, #tpu.memory_space<semaphore_mem>>) src(%dma_wait3A_6 : memref<2600000xf32, #tpu.memory_space<hbm>>) dst(%dma_wait3A_4 : memref<13312xf32, #tpu.memory_space<vmem>>)
    %broadcast_in_dim3A = arith.constant 0.000000e+00 : f32
    %broadcast_in_dim3A_7 = vector.broadcast %broadcast_in_dim3A : f32 to vector<16xf32>
    %swap3A = arith.constant 13312 : index
    %swap3A_8 = tpu.vector_load %arg7[%swap3A] {strides = array<i32>} : memref<13328xf32, #tpu.memory_space<vmem>>, vector<16xf32>,
    %swap3A_9 = vector.shape_cast %swap3A_8 : vector<16xf32> to vector<16xf32>
    %swap3A_10 = vector.shape_cast %broadcast_in_dim3A_7 : vector<16xf32> to vector<16xf32>
    tpu.vector_store %arg7[%swap3A], %swap3A_10 {strides = array<i32>} : memref<13328xf32, #tpu.memory_space<vmem>>, vector<16xf32>,
    %swap3A_11 = arith.constant 8192 : index
    %swap3A_12 = tpu.vector_load %arg8[%swap3A_11] {strides = array<i32>} : memref<8208xf32, #tpu.memory_space<vmem>>, vector<16xf32>,
    %swap3A_13 = vector.shape_cast %swap3A_12 : vector<16xf32> to vector<16xf32>
    %swap3A_14 = vector.shape_cast %broadcast_in_dim3A_7 : vector<16xf32> to vector<16xf32>
    tpu.vector_store %arg8[%swap3A_11], %swap3A_14 {strides = array<i32>} : memref<8208xf32, #tpu.memory_space<vmem>>, vector<16xf32>,
    %iota3A = tpu.iota {dimensions = array<i32: 0>} : vector<16xi32>
    %lt3A = arith.constant 10 : i32
    %lt3A_15 = vector.broadcast %lt3A : i32 to vector<16xi32>
    %lt3A_16 = arith.cmpi slt, %iota3A, %lt3A_15 : vector<16xi32>
    %jit3A = arith.constant 1.000000e+00 : f32
    %jit3A_17 = arith.constant 0.000000e+00 : f32
    %broadcast_in_dim3A_18 = vector.broadcast %jit3A : f32 to vector<16xf32>
    %broadcast_in_dim3A_19 = vector.broadcast %jit3A_17 : f32 to vector<16xf32>
    %select_n3A = arith.select %lt3A_16, %broadcast_in_dim3A_18, %broadcast_in_dim3A_19 : vector<16xi1>, vector<16xf32>
    %get3A = arith.constant 0 : index
    %get3A_20 = tpu.vector_load %arg11[%get3A] {strides = array<i32>} : memref<16xf32, #tpu.memory_space<vmem>>, vector<16xf32>,
    %get3A_21 = vector.shape_cast %get3A_20 : vector<16xf32> to vector<16xf32>
    %scan3A = arith.constant 0 : i32
    %scan3A_22 = arith.constant 0 : i32
    %scan3A_23 = arith.constant 128 : i32
    %scan3A_24 = arith.addi %scan3A_22, %scan3A_23 : i32
    %scan3A_25 = arith.constant 1 : i32
    scf.for %scan3A_55 = %scan3A_22 to %scan3A_24 step %scan3A_25  : i32 {
      %mul3A_56 = arith.constant 4 : i32
      %mul3A_57 = arith.muli %scan3A_55, %mul3A_56 : i32
      %add3A_58 = arith.constant 0 : i32
      %add3A_59 = arith.addi %mul3A_57, %add3A_58 : i32
      %mul3A_60 = arith.constant 26 : i32
      %mul3A_61 = arith.muli %add3A_59, %mul3A_60 : i32
      %get3A_62 = arith.index_cast %mul3A_61 : i32 to index
      %get3A_63 = tpu.vector_load %arg7[%get3A_62] {strides = array<i32>} : memref<13328xf32, #tpu.memory_space<vmem>>, vector<16xf32>,
      %get3A_64 = vector.shape_cast %get3A_63 : vector<16xf32> to vector<16xf32>
      %mul3A_65 = arith.constant 26 : i32
      %mul3A_66 = arith.muli %add3A_59, %mul3A_65 : i32
      %add3A_67 = arith.constant 16 : i32
      %add3A_68 = arith.addi %mul3A_66, %add3A_67 : i32
      %get3A_69 = arith.index_cast %add3A_68 : i32 to index
      %get3A_70 = tpu.vector_load %arg7[%get3A_69] {strides = array<i32>} : memref<13328xf32, #tpu.memory_space<vmem>>, vector<16xf32>,
      %get3A_71 = vector.shape_cast %get3A_70 : vector<16xf32> to vector<16xf32>
      %mul3A_72 = arith.mulf %get3A_71, %select_n3A : vector<16xf32>
      %add3A_73 = arith.addf %get3A_64, %mul3A_72 : vector<16xf32>
      %mul3A_74 = arith.constant 16 : i32
      %mul3A_75 = arith.muli %add3A_59, %mul3A_74 : i32
      %swap3A_76 = arith.index_cast %mul3A_75 : i32 to index
      %swap3A_77 = tpu.vector_load %arg8[%swap3A_76] {strides = array<i32>} : memref<8208xf32, #tpu.memory_space<vmem>>, vector<16xf32>,
      %swap3A_78 = vector.shape_cast %swap3A_77 : vector<16xf32> to vector<16xf32>
      %swap3A_79 = vector.shape_cast %add3A_73 : vector<16xf32> to vector<16xf32>
      tpu.vector_store %arg8[%swap3A_76], %swap3A_79 {strides = array<i32>} : memref<8208xf32, #tpu.memory_space<vmem>>, vector<16xf32>,
      %mul3A_80 = arith.constant 4 : i32
      %mul3A_81 = arith.muli %scan3A_55, %mul3A_80 : i32
      %add3A_82 = arith.constant 1 : i32
      %add3A_83 = arith.addi %mul3A_81, %add3A_82 : i32
      %mul3A_84 = arith.constant 26 : i32
      %mul3A_85 = arith.muli %add3A_83, %mul3A_84 : i32
      %get3A_86 = arith.index_cast %mul3A_85 : i32 to index
      %get3A_87 = tpu.vector_load %arg7[%get3A_86] {strides = array<i32>} : memref<13328xf32, #tpu.memory_space<vmem>>, vector<16xf32>,
      %get3A_88 = vector.shape_cast %get3A_87 : vector<16xf32> to vector<16xf32>
      %mul3A_89 = arith.constant 26 : i32
      %mul3A_90 = arith.muli %add3A_83, %mul3A_89 : i32
      %add3A_91 = arith.constant 16 : i32
      %add3A_92 = arith.addi %mul3A_90, %add3A_91 : i32
      %get3A_93 = arith.index_cast %add3A_92 : i32 to index
      %get3A_94 = tpu.vector_load %arg7[%get3A_93] {strides = array<i32>} : memref<13328xf32, #tpu.memory_space<vmem>>, vector<16xf32>,
      %get3A_95 = vector.shape_cast %get3A_94 : vector<16xf32> to vector<16xf32>
      %mul3A_96 = arith.mulf %get3A_95, %select_n3A : vector<16xf32>
      %add3A_97 = arith.addf %get3A_88, %mul3A_96 : vector<16xf32>
      %mul3A_98 = arith.constant 16 : i32
      %mul3A_99 = arith.muli %add3A_83, %mul3A_98 : i32
      %swap3A_100 = arith.index_cast %mul3A_99 : i32 to index
      %swap3A_101 = tpu.vector_load %arg8[%swap3A_100] {strides = array<i32>} : memref<8208xf32, #tpu.memory_space<vmem>>, vector<16xf32>,
      %swap3A_102 = vector.shape_cast %swap3A_101 : vector<16xf32> to vector<16xf32>
      %swap3A_103 = vector.shape_cast %add3A_97 : vector<16xf32> to vector<16xf32>
      tpu.vector_store %arg8[%swap3A_100], %swap3A_103 {strides = array<i32>} : memref<8208xf32, #tpu.memory_space<vmem>>, vector<16xf32>,
      %mul3A_104 = arith.constant 4 : i32
      %mul3A_105 = arith.muli %scan3A_55, %mul3A_104 : i32
      %add3A_106 = arith.constant 2 : i32
      %add3A_107 = arith.addi %mul3A_105, %add3A_106 : i32
      %mul3A_108 = arith.constant 26 : i32
      %mul3A_109 = arith.muli %add3A_107, %mul3A_108 : i32
      %get3A_110 = arith.index_cast %mul3A_109 : i32 to index
      %get3A_111 = tpu.vector_load %arg7[%get3A_110] {strides = array<i32>} : memref<13328xf32, #tpu.memory_space<vmem>>, vector<16xf32>,
      %get3A_112 = vector.shape_cast %get3A_111 : vector<16xf32> to vector<16xf32>
      %mul3A_113 = arith.constant 26 : i32
      %mul3A_114 = arith.muli %add3A_107, %mul3A_113 : i32
      %add3A_115 = arith.constant 16 : i32
      %add3A_116 = arith.addi %mul3A_114, %add3A_115 : i32
      %get3A_117 = arith.index_cast %add3A_116 : i32 to index
      %get3A_118 = tpu.vector_load %arg7[%get3A_117] {strides = array<i32>} : memref<13328xf32, #tpu.memory_space<vmem>>, vector<16xf32>,
      %get3A_119 = vector.shape_cast %get3A_118 : vector<16xf32> to vector<16xf32>
      %mul3A_120 = arith.mulf %get3A_119, %select_n3A : vector<16xf32>
      %add3A_121 = arith.addf %get3A_112, %mul3A_120 : vector<16xf32>
      %mul3A_122 = arith.constant 16 : i32
      %mul3A_123 = arith.muli %add3A_107, %mul3A_122 : i32
      %swap3A_124 = arith.index_cast %mul3A_123 : i32 to index
      %swap3A_125 = tpu.vector_load %arg8[%swap3A_124] {strides = array<i32>} : memref<8208xf32, #tpu.memory_space<vmem>>, vector<16xf32>,
      %swap3A_126 = vector.shape_cast %swap3A_125 : vector<16xf32> to vector<16xf32>
      %swap3A_127 = vector.shape_cast %add3A_121 : vector<16xf32> to vector<16xf32>
      tpu.vector_store %arg8[%swap3A_124], %swap3A_127 {strides = array<i32>} : memref<8208xf32, #tpu.memory_space<vmem>>, vector<16xf32>,
      %mul3A_128 = arith.constant 4 : i32
      %mul3A_129 = arith.muli %scan3A_55, %mul3A_128 : i32
      %add3A_130 = arith.constant 3 : i32
      %add3A_131 = arith.addi %mul3A_129, %add3A_130 : i32
      %mul3A_132 = arith.constant 26 : i32
      %mul3A_133 = arith.muli %add3A_131, %mul3A_132 : i32
      %get3A_134 = arith.index_cast %mul3A_133 : i32 to index
      %get3A_135 = tpu.vector_load %arg7[%get3A_134] {strides = array<i32>} : memref<13328xf32, #tpu.memory_space<vmem>>, vector<16xf32>,
      %get3A_136 = vector.shape_cast %get3A_135 : vector<16xf32> to vector<16xf32>
      %mul3A_137 = arith.constant 26 : i32
      %mul3A_138 = arith.muli %add3A_131, %mul3A_137 : i32
      %add3A_139 = arith.constant 16 : i32
      %add3A_140 = arith.addi %mul3A_138, %add3A_139 : i32
      %get3A_141 = arith.index_cast %add3A_140 : i32 to index
      %get3A_142 = tpu.vector_load %arg7[%get3A_141] {strides = array<i32>} : memref<13328xf32, #tpu.memory_space<vmem>>, vector<16xf32>,
      %get3A_143 = vector.shape_cast %get3A_142 : vector<16xf32> to vector<16xf32>
      %mul3A_144 = arith.mulf %get3A_143, %select_n3A : vector<16xf32>
      %add3A_145 = arith.addf %get3A_136, %mul3A_144 : vector<16xf32>
      %mul3A_146 = arith.constant 16 : i32
      %mul3A_147 = arith.muli %add3A_131, %mul3A_146 : i32
      %swap3A_148 = arith.index_cast %mul3A_147 : i32 to index
      %swap3A_149 = tpu.vector_load %arg8[%swap3A_148] {strides = array<i32>} : memref<8208xf32, #tpu.memory_space<vmem>>, vector<16xf32>,
      %swap3A_150 = vector.shape_cast %swap3A_149 : vector<16xf32> to vector<16xf32>
      %swap3A_151 = vector.shape_cast %add3A_145 : vector<16xf32> to vector<16xf32>
      tpu.vector_store %arg8[%swap3A_148], %swap3A_151 {strides = array<i32>} : memref<8208xf32, #tpu.memory_space<vmem>>, vector<16xf32>,
    }
    %scan3A_26 = arith.constant 128 : i32
    %scan3A_27 = arith.constant 0 : i32
    %scan3A_28 = arith.constant 0 : i32
    %scan3A_29 = arith.constant 128 : i32
    %scan3A_30 = arith.addi %scan3A_28, %scan3A_29 : i32
    %scan3A_31 = arith.constant 1 : i32
    scf.for %scan3A_55 = %scan3A_28 to %scan3A_30 step %scan3A_31  : i32 {
      %mul3A_56 = arith.constant 4 : i32
      %mul3A_57 = arith.muli %scan3A_55, %mul3A_56 : i32
      %add3A_58 = arith.constant 0 : i32
      %add3A_59 = arith.addi %mul3A_57, %add3A_58 : i32
      %mul3A_60 = arith.constant 16 : i32
      %mul3A_61 = arith.muli %add3A_59, %mul3A_60 : i32
      %get3A_62 = arith.index_cast %mul3A_61 : i32 to index
      %get3A_63 = tpu.vector_load %arg8[%get3A_62] {strides = array<i32>} : memref<8208xf32, #tpu.memory_space<vmem>>, vector<16xf32>,
      %get3A_64 = vector.shape_cast %get3A_63 : vector<16xf32> to vector<16xf32>
      %add3A_65 = arith.constant 8 : i32
      %add3A_66 = arith.addi %mul3A_61, %add3A_65 : i32
      %get3A_67 = arith.index_cast %add3A_66 : i32 to index
      %get3A_68 = tpu.vector_load %arg8[%get3A_67] {strides = array<i32>} : memref<8208xf32, #tpu.memory_space<vmem>>, vector<16xf32>,
      %get3A_69 = vector.shape_cast %get3A_68 : vector<16xf32> to vector<16xf32>
      %add3A_70 = arith.addf %get3A_64, %get3A_69 : vector<16xf32>
      %swap3A_71 = arith.index_cast %mul3A_61 : i32 to index
      %swap3A_72 = tpu.vector_load %arg8[%swap3A_71] {strides = array<i32>} : memref<8208xf32, #tpu.memory_space<vmem>>, vector<16xf32>,
      %swap3A_73 = vector.shape_cast %swap3A_72 : vector<16xf32> to vector<16xf32>
      %swap3A_74 = vector.shape_cast %add3A_70 : vector<16xf32> to vector<16xf32>
      tpu.vector_store %arg8[%swap3A_71], %swap3A_74 {strides = array<i32>} : memref<8208xf32, #tpu.memory_space<vmem>>, vector<16xf32>,
      %mul3A_75 = arith.constant 4 : i32
      %mul3A_76 = arith.muli %scan3A_55, %mul3A_75 : i32
      %add3A_77 = arith.constant 1 : i32
      %add3A_78 = arith.addi %mul3A_76, %add3A_77 : i32
      %mul3A_79 = arith.constant 16 : i32
      %mul3A_80 = arith.muli %add3A_78, %mul3A_79 : i32
      %get3A_81 = arith.index_cast %mul3A_80 : i32 to index
      %get3A_82 = tpu.vector_load %arg8[%get3A_81] {strides = array<i32>} : memref<8208xf32, #tpu.memory_space<vmem>>, vector<16xf32>,
      %get3A_83 = vector.shape_cast %get3A_82 : vector<16xf32> to vector<16xf32>
      %add3A_84 = arith.constant 8 : i32
      %add3A_85 = arith.addi %mul3A_80, %add3A_84 : i32
      %get3A_86 = arith.index_cast %add3A_85 : i32 to index
      %get3A_87 = tpu.vector_load %arg8[%get3A_86] {strides = array<i32>} : memref<8208xf32, #tpu.memory_space<vmem>>, vector<16xf32>,
      %get3A_88 = vector.shape_cast %get3A_87 : vector<16xf32> to vector<16xf32>
      %add3A_89 = arith.addf %get3A_83, %get3A_88 : vector<16xf32>
      %swap3A_90 = arith.index_cast %mul3A_80 : i32 to index
      %swap3A_91 = tpu.vector_load %arg8[%swap3A_90] {strides = array<i32>} : memref<8208xf32, #tpu.memory_space<vmem>>, vector<16xf32>,
      %swap3A_92 = vector.shape_cast %swap3A_91 : vector<16xf32> to vector<16xf32>
      %swap3A_93 = vector.shape_cast %add3A_89 : vector<16xf32> to vector<16xf32>
      tpu.vector_store %arg8[%swap3A_90], %swap3A_93 {strides = array<i32>} : memref<8208xf32, #tpu.memory_space<vmem>>, vector<16xf32>,
      %mul3A_94 = arith.constant 4 : i32
      %mul3A_95 = arith.muli %scan3A_55, %mul3A_94 : i32
      %add3A_96 = arith.constant 2 : i32
      %add3A_97 = arith.addi %mul3A_95, %add3A_96 : i32
      %mul3A_98 = arith.constant 16 : i32
      %mul3A_99 = arith.muli %add3A_97, %mul3A_98 : i32
      %get3A_100 = arith.index_cast %mul3A_99 : i32 to index
      %get3A_101 = tpu.vector_load %arg8[%get3A_100] {strides = array<i32>} : memref<8208xf32, #tpu.memory_space<vmem>>, vector<16xf32>,
      %get3A_102 = vector.shape_cast %get3A_101 : vector<16xf32> to vector<16xf32>
      %add3A_103 = arith.constant 8 : i32
      %add3A_104 = arith.addi %mul3A_99, %add3A_103 : i32
      %get3A_105 = arith.index_cast %add3A_104 : i32 to index
      %get3A_106 = tpu.vector_load %arg8[%get3A_105] {strides = array<i32>} : memref<8208xf32, #tpu.memory_space<vmem>>, vector<16xf32>,
      %get3A_107 = vector.shape_cast %get3A_106 : vector<16xf32> to vector<16xf32>
      %add3A_108 = arith.addf %get3A_102, %get3A_107 : vector<16xf32>
      %swap3A_109 = arith.index_cast %mul3A_99 : i32 to index
      %swap3A_110 = tpu.vector_load %arg8[%swap3A_109] {strides = array<i32>} : memref<8208xf32, #tpu.memory_space<vmem>>, vector<16xf32>,
      %swap3A_111 = vector.shape_cast %swap3A_110 : vector<16xf32> to vector<16xf32>
      %swap3A_112 = vector.shape_cast %add3A_108 : vector<16xf32> to vector<16xf32>
      tpu.vector_store %arg8[%swap3A_109], %swap3A_112 {strides = array<i32>} : memref<8208xf32, #tpu.memory_space<vmem>>, vector<16xf32>,
      %mul3A_113 = arith.constant 4 : i32
      %mul3A_114 = arith.muli %scan3A_55, %mul3A_113 : i32
      %add3A_115 = arith.constant 3 : i32
      %add3A_116 = arith.addi %mul3A_114, %add3A_115 : i32
      %mul3A_117 = arith.constant 16 : i32
      %mul3A_118 = arith.muli %add3A_116, %mul3A_117 : i32
      %get3A_119 = arith.index_cast %mul3A_118 : i32 to index
      %get3A_120 = tpu.vector_load %arg8[%get3A_119] {strides = array<i32>} : memref<8208xf32, #tpu.memory_space<vmem>>, vector<16xf32>,
      %get3A_121 = vector.shape_cast %get3A_120 : vector<16xf32> to vector<16xf32>
      %add3A_122 = arith.constant 8 : i32
      %add3A_123 = arith.addi %mul3A_118, %add3A_122 : i32
      %get3A_124 = arith.index_cast %add3A_123 : i32 to index
      %get3A_125 = tpu.vector_load %arg8[%get3A_124] {strides = array<i32>} : memref<8208xf32, #tpu.memory_space<vmem>>, vector<16xf32>,
      %get3A_126 = vector.shape_cast %get3A_125 : vector<16xf32> to vector<16xf32>
      %add3A_127 = arith.addf %get3A_121, %get3A_126 : vector<16xf32>
      %swap3A_128 = arith.index_cast %mul3A_118 : i32 to index
      %swap3A_129 = tpu.vector_load %arg8[%swap3A_128] {strides = array<i32>} : memref<8208xf32, #tpu.memory_space<vmem>>, vector<16xf32>,
      %swap3A_130 = vector.shape_cast %swap3A_129 : vector<16xf32> to vector<16xf32>
      %swap3A_131 = vector.shape_cast %add3A_127 : vector<16xf32> to vector<16xf32>
      tpu.vector_store %arg8[%swap3A_128], %swap3A_131 {strides = array<i32>} : memref<8208xf32, #tpu.memory_space<vmem>>, vector<16xf32>,
    }
    %scan3A_32 = arith.constant 128 : i32
    %scan3A_33 = arith.constant 0 : i32
    %scan3A_34 = arith.constant 0 : i32
    %scan3A_35 = arith.constant 128 : i32
    %scan3A_36 = arith.addi %scan3A_34, %scan3A_35 : i32
    %scan3A_37 = arith.constant 1 : i32
    scf.for %scan3A_55 = %scan3A_34 to %scan3A_36 step %scan3A_37  : i32 {
      %mul3A_56 = arith.constant 4 : i32
      %mul3A_57 = arith.muli %scan3A_55, %mul3A_56 : i32
      %add3A_58 = arith.constant 0 : i32
      %add3A_59 = arith.addi %mul3A_57, %add3A_58 : i32
      %mul3A_60 = arith.constant 16 : i32
      %mul3A_61 = arith.muli %add3A_59, %mul3A_60 : i32
      %get3A_62 = arith.index_cast %mul3A_61 : i32 to index
      %get3A_63 = tpu.vector_load %arg8[%get3A_62] {strides = array<i32>} : memref<8208xf32, #tpu.memory_space<vmem>>, vector<16xf32>,
      %get3A_64 = vector.shape_cast %get3A_63 : vector<16xf32> to vector<16xf32>
      %add3A_65 = arith.constant 4 : i32
      %add3A_66 = arith.addi %mul3A_61, %add3A_65 : i32
      %get3A_67 = arith.index_cast %add3A_66 : i32 to index
      %get3A_68 = tpu.vector_load %arg8[%get3A_67] {strides = array<i32>} : memref<8208xf32, #tpu.memory_space<vmem>>, vector<16xf32>,
      %get3A_69 = vector.shape_cast %get3A_68 : vector<16xf32> to vector<16xf32>
      %add3A_70 = arith.addf %get3A_64, %get3A_69 : vector<16xf32>
      %swap3A_71 = arith.index_cast %mul3A_61 : i32 to index
      %swap3A_72 = tpu.vector_load %arg8[%swap3A_71] {strides = array<i32>} : memref<8208xf32, #tpu.memory_space<vmem>>, vector<16xf32>,
      %swap3A_73 = vector.shape_cast %swap3A_72 : vector<16xf32> to vector<16xf32>
      %swap3A_74 = vector.shape_cast %add3A_70 : vector<16xf32> to vector<16xf32>
      tpu.vector_store %arg8[%swap3A_71], %swap3A_74 {strides = array<i32>} : memref<8208xf32, #tpu.memory_space<vmem>>, vector<16xf32>,
      %mul3A_75 = arith.constant 4 : i32
      %mul3A_76 = arith.muli %scan3A_55, %mul3A_75 : i32
      %add3A_77 = arith.constant 1 : i32
      %add3A_78 = arith.addi %mul3A_76, %add3A_77 : i32
      %mul3A_79 = arith.constant 16 : i32
      %mul3A_80 = arith.muli %add3A_78, %mul3A_79 : i32
      %get3A_81 = arith.index_cast %mul3A_80 : i32 to index
      %get3A_82 = tpu.vector_load %arg8[%get3A_81] {strides = array<i32>} : memref<8208xf32, #tpu.memory_space<vmem>>, vector<16xf32>,
      %get3A_83 = vector.shape_cast %get3A_82 : vector<16xf32> to vector<16xf32>
      %add3A_84 = arith.constant 4 : i32
      %add3A_85 = arith.addi %mul3A_80, %add3A_84 : i32
      %get3A_86 = arith.index_cast %add3A_85 : i32 to index
      %get3A_87 = tpu.vector_load %arg8[%get3A_86] {strides = array<i32>} : memref<8208xf32, #tpu.memory_space<vmem>>, vector<16xf32>,
      %get3A_88 = vector.shape_cast %get3A_87 : vector<16xf32> to vector<16xf32>
      %add3A_89 = arith.addf %get3A_83, %get3A_88 : vector<16xf32>
      %swap3A_90 = arith.index_cast %mul3A_80 : i32 to index
      %swap3A_91 = tpu.vector_load %arg8[%swap3A_90] {strides = array<i32>} : memref<8208xf32, #tpu.memory_space<vmem>>, vector<16xf32>,
      %swap3A_92 = vector.shape_cast %swap3A_91 : vector<16xf32> to vector<16xf32>
      %swap3A_93 = vector.shape_cast %add3A_89 : vector<16xf32> to vector<16xf32>
      tpu.vector_store %arg8[%swap3A_90], %swap3A_93 {strides = array<i32>} : memref<8208xf32, #tpu.memory_space<vmem>>, vector<16xf32>,
      %mul3A_94 = arith.constant 4 : i32
      %mul3A_95 = arith.muli %scan3A_55, %mul3A_94 : i32
      %add3A_96 = arith.constant 2 : i32
      %add3A_97 = arith.addi %mul3A_95, %add3A_96 : i32
      %mul3A_98 = arith.constant 16 : i32
      %mul3A_99 = arith.muli %add3A_97, %mul3A_98 : i32
      %get3A_100 = arith.index_cast %mul3A_99 : i32 to index
      %get3A_101 = tpu.vector_load %arg8[%get3A_100] {strides = array<i32>} : memref<8208xf32, #tpu.memory_space<vmem>>, vector<16xf32>,
      %get3A_102 = vector.shape_cast %get3A_101 : vector<16xf32> to vector<16xf32>
      %add3A_103 = arith.constant 4 : i32
      %add3A_104 = arith.addi %mul3A_99, %add3A_103 : i32
      %get3A_105 = arith.index_cast %add3A_104 : i32 to index
      %get3A_106 = tpu.vector_load %arg8[%get3A_105] {strides = array<i32>} : memref<8208xf32, #tpu.memory_space<vmem>>, vector<16xf32>,
      %get3A_107 = vector.shape_cast %get3A_106 : vector<16xf32> to vector<16xf32>
      %add3A_108 = arith.addf %get3A_102, %get3A_107 : vector<16xf32>
      %swap3A_109 = arith.index_cast %mul3A_99 : i32 to index
      %swap3A_110 = tpu.vector_load %arg8[%swap3A_109] {strides = array<i32>} : memref<8208xf32, #tpu.memory_space<vmem>>, vector<16xf32>,
      %swap3A_111 = vector.shape_cast %swap3A_110 : vector<16xf32> to vector<16xf32>
      %swap3A_112 = vector.shape_cast %add3A_108 : vector<16xf32> to vector<16xf32>
      tpu.vector_store %arg8[%swap3A_109], %swap3A_112 {strides = array<i32>} : memref<8208xf32, #tpu.memory_space<vmem>>, vector<16xf32>,
      %mul3A_113 = arith.constant 4 : i32
      %mul3A_114 = arith.muli %scan3A_55, %mul3A_113 : i32
      %add3A_115 = arith.constant 3 : i32
      %add3A_116 = arith.addi %mul3A_114, %add3A_115 : i32
      %mul3A_117 = arith.constant 16 : i32
      %mul3A_118 = arith.muli %add3A_116, %mul3A_117 : i32
      %get3A_119 = arith.index_cast %mul3A_118 : i32 to index
      %get3A_120 = tpu.vector_load %arg8[%get3A_119] {strides = array<i32>} : memref<8208xf32, #tpu.memory_space<vmem>>, vector<16xf32>,
      %get3A_121 = vector.shape_cast %get3A_120 : vector<16xf32> to vector<16xf32>
      %add3A_122 = arith.constant 4 : i32
      %add3A_123 = arith.addi %mul3A_118, %add3A_122 : i32
      %get3A_124 = arith.index_cast %add3A_123 : i32 to index
      %get3A_125 = tpu.vector_load %arg8[%get3A_124] {strides = array<i32>} : memref<8208xf32, #tpu.memory_space<vmem>>, vector<16xf32>,
      %get3A_126 = vector.shape_cast %get3A_125 : vector<16xf32> to vector<16xf32>
      %add3A_127 = arith.addf %get3A_121, %get3A_126 : vector<16xf32>
      %swap3A_128 = arith.index_cast %mul3A_118 : i32 to index
      %swap3A_129 = tpu.vector_load %arg8[%swap3A_128] {strides = array<i32>} : memref<8208xf32, #tpu.memory_space<vmem>>, vector<16xf32>,
      %swap3A_130 = vector.shape_cast %swap3A_129 : vector<16xf32> to vector<16xf32>
      %swap3A_131 = vector.shape_cast %add3A_127 : vector<16xf32> to vector<16xf32>
      tpu.vector_store %arg8[%swap3A_128], %swap3A_131 {strides = array<i32>} : memref<8208xf32, #tpu.memory_space<vmem>>, vector<16xf32>,
    }
    %scan3A_38 = arith.constant 128 : i32
    %scan3A_39 = arith.constant 0 : i32
    %scan3A_40 = arith.constant 0 : i32
    %scan3A_41 = arith.constant 128 : i32
    %scan3A_42 = arith.addi %scan3A_40, %scan3A_41 : i32
    %scan3A_43 = arith.constant 1 : i32
    scf.for %scan3A_55 = %scan3A_40 to %scan3A_42 step %scan3A_43  : i32 {
      %mul3A_56 = arith.constant 4 : i32
      %mul3A_57 = arith.muli %scan3A_55, %mul3A_56 : i32
      %add3A_58 = arith.constant 0 : i32
      %add3A_59 = arith.addi %mul3A_57, %add3A_58 : i32
      %mul3A_60 = arith.constant 16 : i32
      %mul3A_61 = arith.muli %add3A_59, %mul3A_60 : i32
      %get3A_62 = arith.index_cast %mul3A_61 : i32 to index
      %get3A_63 = tpu.vector_load %arg8[%get3A_62] {strides = array<i32>} : memref<8208xf32, #tpu.memory_space<vmem>>, vector<16xf32>,
      %get3A_64 = vector.shape_cast %get3A_63 : vector<16xf32> to vector<16xf32>
      %add3A_65 = arith.constant 2 : i32
      %add3A_66 = arith.addi %mul3A_61, %add3A_65 : i32
      %get3A_67 = arith.index_cast %add3A_66 : i32 to index
      %get3A_68 = tpu.vector_load %arg8[%get3A_67] {strides = array<i32>} : memref<8208xf32, #tpu.memory_space<vmem>>, vector<16xf32>,
      %get3A_69 = vector.shape_cast %get3A_68 : vector<16xf32> to vector<16xf32>
      %add3A_70 = arith.addf %get3A_64, %get3A_69 : vector<16xf32>
      %swap3A_71 = arith.index_cast %mul3A_61 : i32 to index
      %swap3A_72 = tpu.vector_load %arg8[%swap3A_71] {strides = array<i32>} : memref<8208xf32, #tpu.memory_space<vmem>>, vector<16xf32>,
      %swap3A_73 = vector.shape_cast %swap3A_72 : vector<16xf32> to vector<16xf32>
      %swap3A_74 = vector.shape_cast %add3A_70 : vector<16xf32> to vector<16xf32>
      tpu.vector_store %arg8[%swap3A_71], %swap3A_74 {strides = array<i32>} : memref<8208xf32, #tpu.memory_space<vmem>>, vector<16xf32>,
      %mul3A_75 = arith.constant 4 : i32
      %mul3A_76 = arith.muli %scan3A_55, %mul3A_75 : i32
      %add3A_77 = arith.constant 1 : i32
      %add3A_78 = arith.addi %mul3A_76, %add3A_77 : i32
      %mul3A_79 = arith.constant 16 : i32
      %mul3A_80 = arith.muli %add3A_78, %mul3A_79 : i32
      %get3A_81 = arith.index_cast %mul3A_80 : i32 to index
      %get3A_82 = tpu.vector_load %arg8[%get3A_81] {strides = array<i32>} : memref<8208xf32, #tpu.memory_space<vmem>>, vector<16xf32>,
      %get3A_83 = vector.shape_cast %get3A_82 : vector<16xf32> to vector<16xf32>
      %add3A_84 = arith.constant 2 : i32
      %add3A_85 = arith.addi %mul3A_80, %add3A_84 : i32
      %get3A_86 = arith.index_cast %add3A_85 : i32 to index
      %get3A_87 = tpu.vector_load %arg8[%get3A_86] {strides = array<i32>} : memref<8208xf32, #tpu.memory_space<vmem>>, vector<16xf32>,
      %get3A_88 = vector.shape_cast %get3A_87 : vector<16xf32> to vector<16xf32>
      %add3A_89 = arith.addf %get3A_83, %get3A_88 : vector<16xf32>
      %swap3A_90 = arith.index_cast %mul3A_80 : i32 to index
      %swap3A_91 = tpu.vector_load %arg8[%swap3A_90] {strides = array<i32>} : memref<8208xf32, #tpu.memory_space<vmem>>, vector<16xf32>,
      %swap3A_92 = vector.shape_cast %swap3A_91 : vector<16xf32> to vector<16xf32>
      %swap3A_93 = vector.shape_cast %add3A_89 : vector<16xf32> to vector<16xf32>
      tpu.vector_store %arg8[%swap3A_90], %swap3A_93 {strides = array<i32>} : memref<8208xf32, #tpu.memory_space<vmem>>, vector<16xf32>,
      %mul3A_94 = arith.constant 4 : i32
      %mul3A_95 = arith.muli %scan3A_55, %mul3A_94 : i32
      %add3A_96 = arith.constant 2 : i32
      %add3A_97 = arith.addi %mul3A_95, %add3A_96 : i32
      %mul3A_98 = arith.constant 16 : i32
      %mul3A_99 = arith.muli %add3A_97, %mul3A_98 : i32
      %get3A_100 = arith.index_cast %mul3A_99 : i32 to index
      %get3A_101 = tpu.vector_load %arg8[%get3A_100] {strides = array<i32>} : memref<8208xf32, #tpu.memory_space<vmem>>, vector<16xf32>,
      %get3A_102 = vector.shape_cast %get3A_101 : vector<16xf32> to vector<16xf32>
      %add3A_103 = arith.constant 2 : i32
      %add3A_104 = arith.addi %mul3A_99, %add3A_103 : i32
      %get3A_105 = arith.index_cast %add3A_104 : i32 to index
      %get3A_106 = tpu.vector_load %arg8[%get3A_105] {strides = array<i32>} : memref<8208xf32, #tpu.memory_space<vmem>>, vector<16xf32>,
      %get3A_107 = vector.shape_cast %get3A_106 : vector<16xf32> to vector<16xf32>
      %add3A_108 = arith.addf %get3A_102, %get3A_107 : vector<16xf32>
      %swap3A_109 = arith.index_cast %mul3A_99 : i32 to index
      %swap3A_110 = tpu.vector_load %arg8[%swap3A_109] {strides = array<i32>} : memref<8208xf32, #tpu.memory_space<vmem>>, vector<16xf32>,
      %swap3A_111 = vector.shape_cast %swap3A_110 : vector<16xf32> to vector<16xf32>
      %swap3A_112 = vector.shape_cast %add3A_108 : vector<16xf32> to vector<16xf32>
      tpu.vector_store %arg8[%swap3A_109], %swap3A_112 {strides = array<i32>} : memref<8208xf32, #tpu.memory_space<vmem>>, vector<16xf32>,
      %mul3A_113 = arith.constant 4 : i32
      %mul3A_114 = arith.muli %scan3A_55, %mul3A_113 : i32
      %add3A_115 = arith.constant 3 : i32
      %add3A_116 = arith.addi %mul3A_114, %add3A_115 : i32
      %mul3A_117 = arith.constant 16 : i32
      %mul3A_118 = arith.muli %add3A_116, %mul3A_117 : i32
      %get3A_119 = arith.index_cast %mul3A_118 : i32 to index
      %get3A_120 = tpu.vector_load %arg8[%get3A_119] {strides = array<i32>} : memref<8208xf32, #tpu.memory_space<vmem>>, vector<16xf32>,
      %get3A_121 = vector.shape_cast %get3A_120 : vector<16xf32> to vector<16xf32>
      %add3A_122 = arith.constant 2 : i32
      %add3A_123 = arith.addi %mul3A_118, %add3A_122 : i32
      %get3A_124 = arith.index_cast %add3A_123 : i32 to index
      %get3A_125 = tpu.vector_load %arg8[%get3A_124] {strides = array<i32>} : memref<8208xf32, #tpu.memory_space<vmem>>, vector<16xf32>,
      %get3A_126 = vector.shape_cast %get3A_125 : vector<16xf32> to vector<16xf32>
      %add3A_127 = arith.addf %get3A_121, %get3A_126 : vector<16xf32>
      %swap3A_128 = arith.index_cast %mul3A_118 : i32 to index
      %swap3A_129 = tpu.vector_load %arg8[%swap3A_128] {strides = array<i32>} : memref<8208xf32, #tpu.memory_space<vmem>>, vector<16xf32>,
      %swap3A_130 = vector.shape_cast %swap3A_129 : vector<16xf32> to vector<16xf32>
      %swap3A_131 = vector.shape_cast %add3A_127 : vector<16xf32> to vector<16xf32>
      tpu.vector_store %arg8[%swap3A_128], %swap3A_131 {strides = array<i32>} : memref<8208xf32, #tpu.memory_space<vmem>>, vector<16xf32>,
    }
    %scan3A_44 = arith.constant 128 : i32
    %scan3A_45 = arith.constant 0 : i32
    %scan3A_46 = arith.constant 0 : i32
    %scan3A_47 = arith.constant 128 : i32
    %scan3A_48 = arith.addi %scan3A_46, %scan3A_47 : i32
    %scan3A_49 = arith.constant 1 : i32
    scf.for %scan3A_55 = %scan3A_46 to %scan3A_48 step %scan3A_49  : i32 {
      %mul3A_56 = arith.constant 4 : i32
      %mul3A_57 = arith.muli %scan3A_55, %mul3A_56 : i32
      %add3A_58 = arith.constant 0 : i32
      %add3A_59 = arith.addi %mul3A_57, %add3A_58 : i32
      %mul3A_60 = arith.constant 16 : i32
      %mul3A_61 = arith.muli %add3A_59, %mul3A_60 : i32
      %get3A_62 = arith.index_cast %mul3A_61 : i32 to index
      %get3A_63 = tpu.vector_load %arg8[%get3A_62] {strides = array<i32>} : memref<8208xf32, #tpu.memory_space<vmem>>, vector<16xf32>,
      %get3A_64 = vector.shape_cast %get3A_63 : vector<16xf32> to vector<16xf32>
      %mul3A_65 = arith.constant 16 : i32
      %mul3A_66 = arith.muli %add3A_59, %mul3A_65 : i32
      %add3A_67 = arith.constant 1 : i32
      %add3A_68 = arith.addi %mul3A_66, %add3A_67 : i32
      %get3A_69 = arith.index_cast %add3A_68 : i32 to index
      %get3A_70 = tpu.vector_load %arg8[%get3A_69] {strides = array<i32>} : memref<8208xf32, #tpu.memory_space<vmem>>, vector<16xf32>,
      %get3A_71 = vector.shape_cast %get3A_70 : vector<16xf32> to vector<16xf32>
      %add3A_72 = arith.addf %get3A_64, %get3A_71 : vector<16xf32>
      %add3A_73 = arith.addf %add3A_72, %get3A_21 : vector<16xf32>
      %swap3A_74 = arith.index_cast %add3A_59 : i32 to index
      %swap3A_75 = arith.constant 0 : index
      %swap3A_76 = tpu.vector_load %arg9[%swap3A_74, %swap3A_75] {strides = array<i32>} : memref<512x16xf32, #tpu.memory_space<vmem>>, vector<1x16xf32>,
      %swap3A_77 = vector.shape_cast %swap3A_76 : vector<1x16xf32> to vector<16xf32>
      %swap3A_78 = vector.shape_cast %add3A_73 : vector<16xf32> to vector<1x16xf32>
      tpu.vector_store %arg9[%swap3A_74, %swap3A_75], %swap3A_78 {strides = array<i32>} : memref<512x16xf32, #tpu.memory_space<vmem>>, vector<1x16xf32>,
      %mul3A_79 = arith.constant 4 : i32
      %mul3A_80 = arith.muli %scan3A_55, %mul3A_79 : i32
      %add3A_81 = arith.constant 1 : i32
      %add3A_82 = arith.addi %mul3A_80, %add3A_81 : i32
      %mul3A_83 = arith.constant 16 : i32
      %mul3A_84 = arith.muli %add3A_82, %mul3A_83 : i32
      %get3A_85 = arith.index_cast %mul3A_84 : i32 to index
      %get3A_86 = tpu.vector_load %arg8[%get3A_85] {strides = array<i32>} : memref<8208xf32, #tpu.memory_space<vmem>>, vector<16xf32>,
      %get3A_87 = vector.shape_cast %get3A_86 : vector<16xf32> to vector<16xf32>
      %mul3A_88 = arith.constant 16 : i32
      %mul3A_89 = arith.muli %add3A_82, %mul3A_88 : i32
      %add3A_90 = arith.constant 1 : i32
      %add3A_91 = arith.addi %mul3A_89, %add3A_90 : i32
      %get3A_92 = arith.index_cast %add3A_91 : i32 to index
      %get3A_93 = tpu.vector_load %arg8[%get3A_92] {strides = array<i32>} : memref<8208xf32, #tpu.memory_space<vmem>>, vector<16xf32>,
      %get3A_94 = vector.shape_cast %get3A_93 : vector<16xf32> to vector<16xf32>
      %add3A_95 = arith.addf %get3A_87, %get3A_94 : vector<16xf32>
      %add3A_96 = arith.addf %add3A_95, %get3A_21 : vector<16xf32>
      %swap3A_97 = arith.index_cast %add3A_82 : i32 to index
      %swap3A_98 = arith.constant 0 : index
      %swap3A_99 = tpu.vector_load %arg9[%swap3A_97, %swap3A_98] {strides = array<i32>} : memref<512x16xf32, #tpu.memory_space<vmem>>, vector<1x16xf32>,
      %swap3A_100 = vector.shape_cast %swap3A_99 : vector<1x16xf32> to vector<16xf32>
      %swap3A_101 = vector.shape_cast %add3A_96 : vector<16xf32> to vector<1x16xf32>
      tpu.vector_store %arg9[%swap3A_97, %swap3A_98], %swap3A_101 {strides = array<i32>} : memref<512x16xf32, #tpu.memory_space<vmem>>, vector<1x16xf32>,
      %mul3A_102 = arith.constant 4 : i32
      %mul3A_103 = arith.muli %scan3A_55, %mul3A_102 : i32
      %add3A_104 = arith.constant 2 : i32
      %add3A_105 = arith.addi %mul3A_103, %add3A_104 : i32
      %mul3A_106 = arith.constant 16 : i32
      %mul3A_107 = arith.muli %add3A_105, %mul3A_106 : i32
      %get3A_108 = arith.index_cast %mul3A_107 : i32 to index
      %get3A_109 = tpu.vector_load %arg8[%get3A_108] {strides = array<i32>} : memref<8208xf32, #tpu.memory_space<vmem>>, vector<16xf32>,
      %get3A_110 = vector.shape_cast %get3A_109 : vector<16xf32> to vector<16xf32>
      %mul3A_111 = arith.constant 16 : i32
      %mul3A_112 = arith.muli %add3A_105, %mul3A_111 : i32
      %add3A_113 = arith.constant 1 : i32
      %add3A_114 = arith.addi %mul3A_112, %add3A_113 : i32
      %get3A_115 = arith.index_cast %add3A_114 : i32 to index
      %get3A_116 = tpu.vector_load %arg8[%get3A_115] {strides = array<i32>} : memref<8208xf32, #tpu.memory_space<vmem>>, vector<16xf32>,
      %get3A_117 = vector.shape_cast %get3A_116 : vector<16xf32> to vector<16xf32>
      %add3A_118 = arith.addf %get3A_110, %get3A_117 : vector<16xf32>
      %add3A_119 = arith.addf %add3A_118, %get3A_21 : vector<16xf32>
      %swap3A_120 = arith.index_cast %add3A_105 : i32 to index
      %swap3A_121 = arith.constant 0 : index
      %swap3A_122 = tpu.vector_load %arg9[%swap3A_120, %swap3A_121] {strides = array<i32>} : memref<512x16xf32, #tpu.memory_space<vmem>>, vector<1x16xf32>,
      %swap3A_123 = vector.shape_cast %swap3A_122 : vector<1x16xf32> to vector<16xf32>
      %swap3A_124 = vector.shape_cast %add3A_119 : vector<16xf32> to vector<1x16xf32>
      tpu.vector_store %arg9[%swap3A_120, %swap3A_121], %swap3A_124 {strides = array<i32>} : memref<512x16xf32, #tpu.memory_space<vmem>>, vector<1x16xf32>,
      %mul3A_125 = arith.constant 4 : i32
      %mul3A_126 = arith.muli %scan3A_55, %mul3A_125 : i32
      %add3A_127 = arith.constant 3 : i32
      %add3A_128 = arith.addi %mul3A_126, %add3A_127 : i32
      %mul3A_129 = arith.constant 16 : i32
      %mul3A_130 = arith.muli %add3A_128, %mul3A_129 : i32
      %get3A_131 = arith.index_cast %mul3A_130 : i32 to index
      %get3A_132 = tpu.vector_load %arg8[%get3A_131] {strides = array<i32>} : memref<8208xf32, #tpu.memory_space<vmem>>, vector<16xf32>,
      %get3A_133 = vector.shape_cast %get3A_132 : vector<16xf32> to vector<16xf32>
      %mul3A_134 = arith.constant 16 : i32
      %mul3A_135 = arith.muli %add3A_128, %mul3A_134 : i32
      %add3A_136 = arith.constant 1 : i32
      %add3A_137 = arith.addi %mul3A_135, %add3A_136 : i32
      %get3A_138 = arith.index_cast %add3A_137 : i32 to index
      %get3A_139 = tpu.vector_load %arg8[%get3A_138] {strides = array<i32>} : memref<8208xf32, #tpu.memory_space<vmem>>, vector<16xf32>,
      %get3A_140 = vector.shape_cast %get3A_139 : vector<16xf32> to vector<16xf32>
      %add3A_141 = arith.addf %get3A_133, %get3A_140 : vector<16xf32>
      %add3A_142 = arith.addf %add3A_141, %get3A_21 : vector<16xf32>
      %swap3A_143 = arith.index_cast %add3A_128 : i32 to index
      %swap3A_144 = arith.constant 0 : index
      %swap3A_145 = tpu.vector_load %arg9[%swap3A_143, %swap3A_144] {strides = array<i32>} : memref<512x16xf32, #tpu.memory_space<vmem>>, vector<1x16xf32>,
      %swap3A_146 = vector.shape_cast %swap3A_145 : vector<1x16xf32> to vector<16xf32>
      %swap3A_147 = vector.shape_cast %add3A_142 : vector<16xf32> to vector<1x16xf32>
      tpu.vector_store %arg9[%swap3A_143, %swap3A_144], %swap3A_147 {strides = array<i32>} : memref<512x16xf32, #tpu.memory_space<vmem>>, vector<1x16xf32>,
    }
    %scan3A_50 = arith.constant 128 : i32
    %mul3A_51 = arith.constant 512 : i32
    %mul3A_52 = arith.muli %arg1, %mul3A_51 : i32
    %run_scoped3A = arith.constant 0 : i32
    "tpu.region"() ({
      %run_scoped3A_55 = tpu.sem_alloc : memref<!tpu.dma_semaphore, #tpu.memory_space<semaphore_mem>>
      %dma_start3A_56 = arith.constant 0 : i32
      %dma_start3A_57 = tpu.memref_slice %arg9[%dma_start3A_56, %run_scoped3A] : memref<512x16xf32, #tpu.memory_space<vmem>> -> memref<512x1xf32, #tpu.memory_space<vmem>>
      %dma_start3A_58 = tpu.memref_squeeze %dma_start3A_57 : memref<512x1xf32, #tpu.memory_space<vmem>> -> memref<512xf32, #tpu.memory_space<vmem>>
      %dma_start3A_59 = tpu.memref_slice %arg12[%mul3A_52] : memref<8192xf32, #tpu.memory_space<vmem_shared>> -> memref<512xf32, #tpu.memory_space<vmem_shared>>
      %dma_start3A_60 = tpu.memref_slice %arg12[%mul3A_52] : memref<8192xf32, #tpu.memory_space<vmem_shared>> -> memref<512xf32, #tpu.memory_space<vmem_shared>>
      %dma_start3A_61 = arith.constant 0 : i32
      %dma_start3A_62 = tpu.memref_slice %arg9[%dma_start3A_61, %run_scoped3A] : memref<512x16xf32, #tpu.memory_space<vmem>> -> memref<512x1xf32, #tpu.memory_space<vmem>>
      %dma_start3A_63 = tpu.memref_squeeze %dma_start3A_62 : memref<512x1xf32, #tpu.memory_space<vmem>> -> memref<512xf32, #tpu.memory_space<vmem>>
      tpu.enqueue_dma source(%dma_start3A_63 : memref<512xf32, #tpu.memory_space<vmem>>) target(%dma_start3A_60 : memref<512xf32, #tpu.memory_space<vmem_shared>>) target_semaphore(%run_scoped3A_55 : memref<!tpu.dma_semaphore, #tpu.memory_space<semaphore_mem>>)
      %dma_wait3A_64 = arith.constant 0 : i32
      %dma_wait3A_65 = tpu.memref_slice %arg9[%dma_wait3A_64, %run_scoped3A] : memref<512x16xf32, #tpu.memory_space<vmem>> -> memref<512x1xf32, #tpu.memory_space<vmem>>
      %dma_wait3A_66 = tpu.memref_squeeze %dma_wait3A_65 : memref<512x1xf32, #tpu.memory_space<vmem>> -> memref<512xf32, #tpu.memory_space<vmem>>
      %dma_wait3A_67 = tpu.memref_slice %arg12[%mul3A_52] : memref<8192xf32, #tpu.memory_space<vmem_shared>> -> memref<512xf32, #tpu.memory_space<vmem_shared>>
      %dma_wait3A_68 = tpu.memref_slice %arg12[%mul3A_52] : memref<8192xf32, #tpu.memory_space<vmem_shared>> -> memref<512xf32, #tpu.memory_space<vmem_shared>>
      %dma_wait3A_69 = arith.constant 0 : i32
      %dma_wait3A_70 = tpu.memref_slice %arg9[%dma_wait3A_69, %run_scoped3A] : memref<512x16xf32, #tpu.memory_space<vmem>> -> memref<512x1xf32, #tpu.memory_space<vmem>>
      %dma_wait3A_71 = tpu.memref_squeeze %dma_wait3A_70 : memref<512x1xf32, #tpu.memory_space<vmem>> -> memref<512xf32, #tpu.memory_space<vmem>>
      tpu.wait_dma2 semaphore(%run_scoped3A_55 : memref<!tpu.dma_semaphore, #tpu.memory_space<semaphore_mem>>) src(%dma_wait3A_71 : memref<512xf32, #tpu.memory_space<vmem>>) dst(%dma_wait3A_68 : memref<512xf32, #tpu.memory_space<vmem_shared>>)
      tpu.yield
    }) : () -> ()
    %mul3A_53 = arith.constant 512 : i32
    %mul3A_54 = arith.muli %arg1, %mul3A_53 : i32
    "tpu.region"() ({
      %run_scoped3A_55 = tpu.sem_alloc : memref<!tpu.dma_semaphore, #tpu.memory_space<semaphore_mem>>
      %dma_start3A_56 = tpu.memref_slice %arg12[%mul3A_54] : memref<8192xf32, #tpu.memory_space<vmem_shared>> -> memref<512xf32, #tpu.memory_space<vmem_shared>>
      %dma_start3A_57 = tpu.memref_slice %arg12[%mul3A_54] : memref<8192xf32, #tpu.memory_space<vmem_shared>> -> memref<512xf32, #tpu.memory_space<vmem_shared>>
      tpu.enqueue_dma source(%dma_start3A_57 : memref<512xf32, #tpu.memory_space<vmem_shared>>) target(%arg10 : memref<512xf32, #tpu.memory_space<vmem>>) target_semaphore(%run_scoped3A_55 : memref<!tpu.dma_semaphore, #tpu.memory_space<semaphore_mem>>)
      %dma_wait3A_58 = tpu.memref_slice %arg12[%mul3A_54] : memref<8192xf32, #tpu.memory_space<vmem_shared>> -> memref<512xf32, #tpu.memory_space<vmem_shared>>
      %dma_wait3A_59 = tpu.memref_slice %arg12[%mul3A_54] : memref<8192xf32, #tpu.memory_space<vmem_shared>> -> memref<512xf32, #tpu.memory_space<vmem_shared>>
      tpu.wait_dma2 semaphore(%run_scoped3A_55 : memref<!tpu.dma_semaphore, #tpu.memory_space<semaphore_mem>>) src(%dma_wait3A_59 : memref<512xf32, #tpu.memory_space<vmem_shared>>) dst(%arg10 : memref<512xf32, #tpu.memory_space<vmem>>)
      tpu.yield
    }) : () -> ()
    "tpu.region"() ({
      %run_scoped3A_55 = tpu.sem_alloc : memref<!tpu.dma_semaphore, #tpu.memory_space<semaphore_mem>>
      %dma_start3A_56 = arith.constant 0 : i32
      %dma_start3A_57 = tpu.memref_slice %arg5[%add3A, %dma_start3A_56] : memref<32x512xf32, #tpu.memory_space<hbm>> -> memref<1x512xf32, #tpu.memory_space<hbm>>
      %dma_start3A_58 = tpu.memref_squeeze %dma_start3A_57 : memref<1x512xf32, #tpu.memory_space<hbm>> -> memref<512xf32, #tpu.memory_space<hbm>>
      %dma_start3A_59 = arith.constant 0 : i32
      %dma_start3A_60 = tpu.memref_slice %arg5[%add3A, %dma_start3A_59] : memref<32x512xf32, #tpu.memory_space<hbm>> -> memref<1x512xf32, #tpu.memory_space<hbm>>
      %dma_start3A_61 = tpu.memref_squeeze %dma_start3A_60 : memref<1x512xf32, #tpu.memory_space<hbm>> -> memref<512xf32, #tpu.memory_space<hbm>>
      tpu.enqueue_dma source(%arg10 : memref<512xf32, #tpu.memory_space<vmem>>) target(%dma_start3A_61 : memref<512xf32, #tpu.memory_space<hbm>>) target_semaphore(%run_scoped3A_55 : memref<!tpu.dma_semaphore, #tpu.memory_space<semaphore_mem>>)
      %dma_wait3A_62 = arith.constant 0 : i32
      %dma_wait3A_63 = tpu.memref_slice %arg5[%add3A, %dma_wait3A_62] : memref<32x512xf32, #tpu.memory_space<hbm>> -> memref<1x512xf32, #tpu.memory_space<hbm>>
      %dma_wait3A_64 = tpu.memref_squeeze %dma_wait3A_63 : memref<1x512xf32, #tpu.memory_space<hbm>> -> memref<512xf32, #tpu.memory_space<hbm>>
      %dma_wait3A_65 = arith.constant 0 : i32
      %dma_wait3A_66 = tpu.memref_slice %arg5[%add3A, %dma_wait3A_65] : memref<32x512xf32, #tpu.memory_space<hbm>> -> memref<1x512xf32, #tpu.memory_space<hbm>>
      %dma_wait3A_67 = tpu.memref_squeeze %dma_wait3A_66 : memref<1x512xf32, #tpu.memory_space<hbm>> -> memref<512xf32, #tpu.memory_space<hbm>>
      tpu.wait_dma2 semaphore(%run_scoped3A_55 : memref<!tpu.dma_semaphore, #tpu.memory_space<semaphore_mem>>) src(%arg10 : memref<512xf32, #tpu.memory_space<vmem>>) dst(%dma_wait3A_67 : memref<512xf32, #tpu.memory_space<hbm>>)
      tpu.yield
    }) : () -> ()
    return
  }
}

</mosaic_0001>

<sc_bundles>
// kernel: kernel.3.cloned.1.call-start
scs
__scs_entry_jumppad:
0x0: {  	(pc) =	sbr.rel $0x88, $3  }
0x1: {  	(tag) =	ssettag $0x0;
	lr =	simm.s32 $0x1  }
0x2: {  	[smem:$0x3F9E] =	sst lr;
	_ =	strace $0xD0000000  }
0x3: {  	_ = 	snop  }
0x4: {  	_ = 	snop  }
0x5: {  	_ = 	snop  }
0x6: {  	_ = 	snop  }
0x7: {  	_ = 	snop  }
__scs_overlays_trampoline_lowered:
0x8: {  	[smem:$0x3FAD] =	sst s0  }
0x9: {  	[smem:$0x3FAE] =	sst s1  }
0xa: {  	[smem:$0x3FAF] =	sst s2  }
0xb: {  	[smem:$0x3FB0] =	sst s3  }
0xc: {  	[smem:$0x3FB1] =	sst s4  }
0xd: {  	[smem:$0x3FB2] =	sst s5  }
0xe: {  	[smem:$0x3FB3] =	sst s6  }
0xf: {  	[smem:$0x3FB4] =	sst s7  }
0x10: {  	[smem:$0x3FB5] =	sst s8  }
0x11: {  	[smem:$0x3FB6] =	sst s9;
	s0 =	simm.s32 @!p0 $0x0  }
0x12: {  	s1 =	sld [smem:$0x3F9C];
	s0 =	simm.s32 @p0 $0x1  }
0x13: {  	[smem:$0x3FB7] =	sst s0;
	s0 =	simm.s32 @!p1 $0x0  }
0x14: {  	s2 =	sld [smem:$0x3F9B];
	s0 =	simm.s32 @p1 $0x1  }
0x15: {  	[smem:$0x3FB8] =	sst s0;
	s0 =	simm.s32 @!p2 $0x0  }
0x16: {  	s3 =	sld [smem:$0x3FDB];
	s0 =	simm.s32 @p2 $0x1  }
0x17: {  	s4 =	simm.s32 $0x1BF5;
	[smem:$0x3FBA] =	sst s0  }
0x18: {  	s0 =	sld [smem:$0x3F9D];
	_ =	swait.ge [sflag:s4], $0x0  }
0x19: {  	s7 =	sld [smem:$0x3F9E]  }
0x1a: {  	s8 =	sadd.s32 $0xFFFFE003, lr  }
0x1b: {  	s9 =	sadd.s32 $0xFFFFFEF7, lr;
	s5 =	simm.s32 $0xFFFFFFFF;
	p2 =	slt.u32 s8, $0xFFFFF086  }
0x1c: {  	p1 =	slt.u32 s9, $0xF7A;
	s5 =	simm.s32 @!p2 $0x0  }
0x1d: {  	s5 =	simm.s32 @p1 $0x1;
	p0 =	seq.s32 s7, s2  }
0x1e: {  	s7 =	smul.u32 @!p0 $0xF7A, s2;
	p2 =	seq.s32 @!p0 s5, $0x0  }
0x1f: {  	s9 =	smul.u32 $0xF7A, s1;
	s8 =	simm.s32 @!p0 $0x1BF5;
	p2 =	por !p2, p0  }
0x20: {  	[sflag:s8] =	ssyncset.s32 @!p0 $0xFFFFF086;
	s6 =	sadd.s32 @!p0 s3, s7;
	s7 =	simm.s32 @!p0 $0x108  }
0x21: {  	s3 =	sadd.s32 s3, s9;
	s6 =	sadd.s32 @!p0 $0x88, s6;
	s7 =	simm.s32 @p2 $0x1082  }
0x22: {  	[simem:s7], [sflag:s8] =	dma.local @!p0 [hbm:s6], $0xF7A  }
0x23: {  	s9 =	sor.u32 $0xD0000000, s2;
	s6 =	simm.s32 $0x108;
	_ =	swait.ge @!p0 [sflag:s8], $0x0  }
0x24: {  	s3 =	sadd.s32 $0x88, s3;
	s6 =	simm.s32 @!p1 $0x1082;
	[sflag:s4] =	ssyncset.s32 $0xFFFFF086  }
0x25: {  	[simem:s6], [sflag:s4] =	dma.local [hbm:s3], $0xF7A  }
0x26: {  	[smem:$0x3F9E] =	sst s1;
	(tag) =	ssettag s2;
	_ =	strace s9  }
0x27: {  	s1 =	sld [smem:$0x3FAE]  }
0x28: {  	s2 =	sld [smem:$0x3FAF]  }
0x29: {  	s4 =	sld [smem:$0x3FB1]  }
0x2a: {  	p0 =	seq.s32 s5, $0x0;
	s5 =	sld [smem:$0x3FB2]  }
0x2b: {  	s6 =	sld [smem:$0x3FB3]  }
0x2c: {  	s7 =	sld [smem:$0x3FB4]  }
0x2d: {  	s3 =	simm.s32 $0x108;
	s8 =	sld [smem:$0x3FB5]  }
0x2e: {  	s3 =	simm.s32 @!p0 $0x1082;
	s9 =	sld [smem:$0x3FB6]  }
0x2f: {  	lr =	sadd.s32 s0, s3;
	s0 =	sld [smem:$0x3FAD]  }
0x30: {  	s3 =	sld [smem:$0x3FB0]  }
0x31: {  	[smem:$0x3FB9] =	sst s10  }
0x32: {  	s10 =	sld [smem:$0x3FB7];
	_ =	sdelay $0x3  }
0x33: {  	p0 =	seq.s32 s10, $0x1;
	s10 =	sld [smem:$0x3FB9];
	_ =	sdelay $0x3  }
0x34: {  	[smem:$0x3FB9] =	sst s10  }
0x35: {  	s10 =	sld [smem:$0x3FB8];
	_ =	sdelay $0x3  }
0x36: {  	p1 =	seq.s32 s10, $0x1;
	s10 =	sld [smem:$0x3FB9];
	_ =	sdelay $0x3  }
0x37: {  	[smem:$0x3FB9] =	sst s10  }
0x38: {  	s10 =	sld [smem:$0x3FBA]  }
0x39: {  	_ = 	snop;
	(pc) =	sbr.ind lr, $3  }
0x3a: {  	_ = 	snop  }
0x3b: {  	_ = 	snop  }
0x3c: {  	p2 =	seq.s32 s10, $0x1;
	s10 =	sld [smem:$0x3FB9]  }
0x3d: {  	_ =	shalt  }
0x3e: {  	_ =	shalt  }
0x3f: {  	_ =	shalt  }
0x40: {  	_ =	shalt  }
0x41: {  	_ =	shalt  }
0x42: {  	_ =	shalt  }
0x43: {  	_ =	shalt  }
0x44: {  	_ =	shalt  }
0x45: {  	_ =	shalt  }
0x46: {  	_ =	shalt  }
0x47: {  	_ =	shalt  }
0x48: {  	_ =	shalt  }
0x49: {  	_ =	shalt  }
0x4a: {  	_ =	shalt  }
0x4b: {  	_ =	shalt  }
0x4c: {  	_ =	shalt  }
0x4d: {  	_ =	shalt  }
0x4e: {  	_ =	shalt  }
0x4f: {  	_ =	shalt  }
0x50: {  	_ =	shalt  }
0x51: {  	_ =	shalt  }
0x52: {  	_ =	shalt  }
0x53: {  	_ =	shalt  }
0x54: {  	_ =	shalt  }
0x55: {  	_ =	shalt  }
0x56: {  	_ =	shalt  }
0x57: {  	_ =	shalt  }
0x58: {  	_ =	shalt  }
0x59: {  	_ =	shalt  }
0x5a: {  	_ =	shalt  }
0x5b: {  	_ =	shalt  }
0x5c: {  	_ =	shalt  }
0x5d: {  	_ =	shalt  }
0x5e: {  	_ =	shalt  }
0x5f: {  	_ =	shalt  }
0x60: {  	_ =	shalt  }
0x61: {  	_ =	shalt  }
0x62: {  	_ =	shalt  }
0x63: {  	_ =	shalt  }
0x64: {  	_ =	shalt  }
0x65: {  	_ =	shalt  }
0x66: {  	_ =	shalt  }
0x67: {  	_ =	shalt  }
0x68: {  	_ =	shalt  }
0x69: {  	_ =	shalt  }
0x6a: {  	_ =	shalt  }
0x6b: {  	_ =	shalt  }
0x6c: {  	_ =	shalt  }
0x6d: {  	_ =	shalt  }
0x6e: {  	_ =	shalt  }
0x6f: {  	_ =	shalt  }
0x70: {  	_ =	shalt  }
0x71: {  	_ =	shalt  }
0x72: {  	_ =	shalt  }
0x73: {  	_ =	shalt  }
0x74: {  	_ =	shalt  }
0x75: {  	_ =	shalt  }
0x76: {  	_ =	shalt  }
0x77: {  	_ =	shalt  }
0x78: {  	_ =	shalt  }
0x79: {  	_ =	shalt  }
0x7a: {  	_ =	shalt  }
0x7b: {  	_ =	shalt  }
0x7c: {  	_ =	shalt  }
0x7d: {  	_ =	shalt  }
0x7e: {  	_ =	shalt  }
0x7f: {  	_ =	shalt  }
0x80: {  	_ =	shalt  }
0x81: {  	_ =	shalt  }
0x82: {  	_ =	shalt  }
0x83: {  	_ =	shalt  }
0x84: {  	_ =	shalt  }
0x85: {  	_ =	shalt  }
0x86: {  	_ =	shalt  }
0x87: {  	_ =	shalt  }
.Lfunc_end0:
.L_simem_size_0:
called_computation_lowered:
.L_overlay_start_0:
0x88: {  	s2 =	sld [smem:$0x3FD9]  }
0x89: {  	s3 =	sld [smem:$0x3FFE];
	_ =	sdelay $0x1  }
0x8a: {  	s1 =	srdreg.scid  }
0x8b: {  	s0 =	sand.u32 $0x1, s1  }
0x8c: {  	s16 =	sshll.u32 s0, $0xA;
	s2 =	sadd.s32 s3, s2  }
0x8d: {  	s2 =	sadd.s32 s2, s16  }
0x8e: {  	[smem:$0x3FC5] =	sst s2  }
0x8f: {  	_ = 	snop  }
0x90: {  	(tm) =	ssettm $0x1  }
0x91: {  	s17 =	sld [smem:$0x3FFB];
	_ =	sdelay $0x3  }
0x92: {  	_ =	strace s17  }
0x93: {  	s2 =	sld [smem:$0x3FFC];
	_ =	sdelay $0x3  }
0x94: {  	_ =	strace s2  }
0x95: {  	s2 =	sld [smem:$0x3FFD];
	_ =	sdelay $0x3  }
0x96: {  	_ =	strace s2  }
0x97: {  	_ =	strace $0x8FFFFFFF  }
0x98: {  	s18 =	sld [smem:$0x3FDB];
	_ =	sdelay $0x1  }
0x99: {  	s19 =	simm.s32 $_scs_section_size  }
0x9a: {  	s4 =	simm.s32 $_size__tile_overlayer_lowered;
	s5 =	simm.s32 $_tile_overlayer_lowered  }
0x9b: {  	s22 =	simm.s32 $0x1BFF;
	s21 =	sshll.u32 s5, $0x1;
	s2 =	sadd.s32 s19, s18  }
0x9c: {  	s6 =	simm.s32 $0x0;
	s20 =	sshll.u32 s4, $0x1;
	s4 =	sadd.s32 s21, s2  }
0x9d: {  	[timem:s6], [sflag:s22] =	dma.local [hbm:s4], s20  }
0x9e: {  	_ =	swait.ge [sflag:s22], s20  }
0x9f: {  	s3 =	ssub.s32 $0x0, s20;
	[sflag:s22] =	ssyncset.done $0x0  }
0xa0: {  	[sflag:s22] =	ssyncadd.s32 s3;
	_ =	sdelay $0x1  }
0xa1: {  	s23 =	simm.s32 $0x1B8B  }
0xa2: {  	_ =	swait.ge [sflag:s23], $0x1  }
0xa3: {  	[sflag:s23] =	ssyncset.done $0x0  }
0xa4: {  	s25 =	simm.s32 $0x1B8E;
	s24 =	sld [smem:$0x3FFE];
	[sflag:s23] =	ssyncadd.s32 $0xFFFFFFFF  }
0xa5: {  	s26 =	simm.s32 $execute0_lowered;
	[smem:$0x3FD2] =	sst s25  }
0xa6: {  	s4 =	sshll.u32 s26, $0x1;
	_ =	strace $0x80000046;
	[dreg:$0x1] =	wrdreg $0xFFFFFFFF  }
0xa7: {  	s28 =	simm.s32 $_size_execute0_lowered;
	s2 =	sadd.s32 s2, s4;
	[dreg:$0x0] =	wrdreg $0x0  }
0xa8: {  	s4 =	sshll.u32 s28, $0x1;
	[dreg:$0x2] =	wrdreg s2  }
0xa9: {  	[dreg:$0x3] =	wrdreg s4  }
0xaa: {  	[dreg:$0x4] =	wrdreg $0xC0  }
0xab: {  	_ =	task [dreg:s6], $0x5FFFF  }
0xac: {  	[dreg:$0x1] =	wrdreg $0xFFFFFFFF  }
0xad: {  	[dreg:$0x0] =	wrdreg $0x60  }
0xae: {  	[dreg:$0x2] =	wrdreg s24  }
0xaf: {  	[dreg:$0x3] =	wrdreg $0x18B800  }
0xb0: {  	[dreg:$0x4] =	wrdreg $0x9  }
0xb1: {  	_ =	task.clear_ibuf [dreg:s6], $0x5FFFF;
	_ =	strace $0x90000046  }
0xb2: {  	s29 =	simm.s32 $0x9;
	_ =	strace $0x80000048  }
0xb3: {  	_ =	swait.ge [sflag:s29], $0x1  }
0xb4: {  	[sflag:s29] =	ssyncadd.s32 $0xFFFFFFFF  }
0xb5: {  	_ =	strace $0x90000048  }
0xb6: {  	_ =	sfence  }
0xb7: {  	s30 =	sld [smem:$0x0];
	_ =	sdelay $0x2  }
0xb8: {  	s31 =	sshll.u32 s1, $0xD;
	s1 =	sshrl.u32 s1, $0x2  }
0xb9: {  	s3 =	sand.u32 $0x4000, s31;
	s1 =	sadd.s32 s1, s30  }
0xba: {  	s0 =	sor.u32 s3, s0;
	s1 =	sshll.u32 s1, $0x11  }
0xbb: {  	s0 =	sor.u32 s1, s0  }
0xbc: {  	s0 =	sadd.s32 $0x8F2B, s0  }
0xbd: {  	[sflag:s0] =	ssyncadd.remote.s32 $0x1  }
0xbe: {  	_ =	sfence.sel $0xFFFF  }
0xbf: {  	[dreg:$0x0] =	wrdreg $0xFFFFFFFF;
	(pc) =	sbr.abs _section_cstart, $3  }
0xc0: {  	[dreg:$0x1] =	wrdreg $0xFFFFFFFF  }
0xc1: {  	_ =	task.clear_ibuf [dreg:s6], $0x2FFFF;
	_ =	strace $0x9FFFFFFF  }
0xc2: {  	(tm) =	ssettm $0x7FFFFFFF  }
0xc3: {  	_ =	shalt  }
tec
execute0_lowered:
.L_overlay_start_1:
0x0: {  	(tag) =	ssettag $0x1  }
0x1: {  	s5 =	rddreg [dreg:$0x0];
	s1 =	srdreg.scid  }
0x2: {  	s0 =	stileid.u32;
	s7 =	rddreg [dreg:$0x1]  }
0x3: {  	s11 =	simm.s32 $0x2;
	s12 =	simm.s32 $0x18B00;
	s13 =	simm.s32 $0x3400  }
0x4: {  	s14 =	simm.s32 $0x1;
	s15 =	simm.s32 $0x18900;
	s16 =	simm.s32 $0x0  }
0x5: {  	s4 =	sand.u32 $0x1, s1;
	s3 =	sshrl.u32 s0, $0x2;
	s29 =	sshll.u32 s0, $0x8  }
0x6: {  	s31 =	sshll.u32 s0, $0x9;
	s2 =	sshll.u32 s4, $0x7;
	s1 =	sand.u32 $0x300, s29  }
0x7: {  	s6 =	smul.u32 $0x1A000, s3;
	s9 =	sshll.u32 s3, $0xC;
	s3 =	sadd.s32 $0xD600, s5  }
0x8: {  	s30 =	ssub.s32 $0x2, s4;
	s4 =	sadd.s32 $0x5CC00, s5;
	s8 =	sor.u32 s2, s1  }
0x9: {  	s1 =	rddreg [dreg:$0x2];
	s2 =	simm.s32 $0x0;
	s10 =	sshrl.u32 s30, $0x1  }
0xa: {  	s6 =	sor.u32 s6, s8;
	[smem:$0x7FF] =	sst s2;
	s8 =	sor.u32 s9, s8  }
0xb: {  	s9 =	ssub.s32 s30, s10;
	s10 =	simm.s32 $0x400;
	s6 =	sshrl.u32 s6, $0x3  }
0xc: {  	_ =	strace $0x80000047;
	s8 =	sshrl.u32 s8, $0x3;
	s6 =	sadd.s32 s6, s5  }
0xd: {  	v0 =	vimm.f32 $0.0e+00;
	vm0 =	vcmask $0x2700;
	s8 =	sadd.s32 s8, s5;
	s5 =	sadd.s32 $0x600, s6;
	s6 =	sadd.s32 s31, s7  }
0xe: {  	v1 =	vsel vm0, $0x3F800000, v0;
	s7 =	sadd.s32 $0x5CE00, s8;
	s8 =	smax.u32 s9, $0x1;
	s9 =	simm.s32 $0x80  }
.LBB2_1:
0xf: {  	[tilespmem:s2], [sflag:$0x2] =	stream.strided.gather [hbm4b:s5+s9], $0x3400, s10, s9, $0x38;
	[tilespmem:$0x18D80] =	vst v63  }
0x10: {  	_ =	swait.ge [sflag:s11], $0x3400  }
0x11: {  	[sflag:s11] =	ssyncset.done $0x0  }
0x12: {  	[sflag:s11] =	ssyncadd.s32 $0xFFFFCC00  }
0x13: {  	[tilespmem:s12], [sflag:$0x2] =	stream.linear.gather [hbm4b:s4+s2], $0x80, $0x38;
	[tilespmem:$0x18D80] =	vst v63  }
0x14: {  	_ =	swait.ge [sflag:s11], $0x80  }
0x15: {  	[sflag:s11] =	ssyncset.done $0x0  }
0x16: {  	[sflag:s11] =	ssyncadd.s32 $0xFFFFFF80  }
0x17: {  	[tilespmem:s13], [sflag:$0x1] =	stream.indirect.gather [hbm4b:s3+s13], $0x1, s2, s13, $0xb8;
	[tilespmem:$0x18D80] =	vst v63  }
0x18: {  	_ =	swait.ge [sflag:s14], $0x3400  }
0x19: {  	[sflag:s14] =	ssyncset.done $0x0  }
0x1a: {  	[sflag:s14] =	ssyncadd.s32 $0xFFFFCC00  }
0x1b: {  	[tilespmem:$0x6800] =	vst v0;
	v2 =	vld [tilespmem:$0x18B00]  }
0x1c: {  	s17 =	simm.s32 $0x3434;
	[tilespmem:$0x8880] =	vst v0  }
0x1d: {  	s19 =	simm.s32 $0x100;
	s18 =	simm.s32 $0x0;
	v3 =	vld [tilespmem:s17+$0xFFFFFFDC]  }
.LBB2_2:
0x1e: {  	p0 =	sne.s32 s19, $0x7F00;
	v4 =	vld [tilespmem:s17+$0xFFFFFFCC];
	_ =	sdelay $0x3  }
0x1f: {  	v3 =	vmul.f32 v1, v3;
	_ =	sdelay $0x1  }
0x20: {  	v3 =	vadd.f32 v3, v4  }
0x21: {  	s20 =	sshra.s32 s18, $0x2;
	s18 =	smov.u32 s19  }
0x22: {  	[tilespmem:s20+$0x6880] =	vst v3  }
0x23: {  	v3 =	vld [tilespmem:s17+$0xFFFFFFF6];
	_ =	sdelay $0x1  }
0x24: {  	v4 =	vld [tilespmem:s17+$0xFFFFFFE6];
	_ =	sdelay $0x2  }
0x25: {  	v3 =	vmul.f32 v1, v3;
	_ =	sdelay $0x1  }
0x26: {  	v3 =	vadd.f32 v3, v4;
	_ =	sdelay $0x1  }
0x27: {  	[tilespmem:s20+$0x6890] =	vst v3  }
0x28: {  	v3 =	vld [tilespmem:s17+$0x10];
	_ =	sdelay $0x1  }
0x29: {  	v4 =	vld [tilespmem:s17+$0x0];
	_ =	sdelay $0x2  }
0x2a: {  	v3 =	vmul.f32 v1, v3;
	_ =	sdelay $0x1  }
0x2b: {  	v3 =	vadd.f32 v3, v4;
	_ =	sdelay $0x1  }
0x2c: {  	[tilespmem:s20+$0x68A0] =	vst v3  }
0x2d: {  	v3 =	vld [tilespmem:s17+$0x2A]  }
0x2e: {  	v4 =	vld [tilespmem:s17+$0x1A];
	_ =	sdelay $0x3  }
0x2f: {  	v3 =	vmul.f32 v1, v3  }
.Ltmp0:
0x30: {  	(pc) =	sbr.rel @p0 .LBB2_2-.Ltmp0, $3  }
0x31: {  	v3 =	vadd.f32 v3, v4;
	_ =	sdelay $0x1  }
0x32: {  	s17 =	sadd.s32 $0x68, s17;
	[tilespmem:s20+$0x68B0] =	vst v3  }
0x33: {  	s19 =	sadd.s32 $0x100, s19;
	v3 =	vld [tilespmem:s17+$0xFFFFFFDC]  }
0x34: {  	_ = 	snop  }
0x35: {  	v4 =	vld [tilespmem:s17+$0xFFFFFFCC];
	_ =	sdelay $0x2  }
0x36: {  	v3 =	vmul.f32 v1, v3;
	_ =	sdelay $0x1  }
0x37: {  	v3 =	vadd.f32 v3, v4  }
0x38: {  	s18 =	sshra.s32 s18, $0x2  }
0x39: {  	[tilespmem:s18+$0x6880] =	vst v3  }
0x3a: {  	v3 =	vld [tilespmem:s17+$0xFFFFFFF6];
	_ =	sdelay $0x1  }
0x3b: {  	v4 =	vld [tilespmem:s17+$0xFFFFFFE6];
	_ =	sdelay $0x2  }
0x3c: {  	v3 =	vmul.f32 v1, v3;
	_ =	sdelay $0x1  }
0x3d: {  	v3 =	vadd.f32 v3, v4;
	_ =	sdelay $0x1  }
0x3e: {  	[tilespmem:s18+$0x6890] =	vst v3  }
0x3f: {  	v3 =	vld [tilespmem:s17+$0x10];
	_ =	sdelay $0x1  }
0x40: {  	v4 =	vld [tilespmem:s17+$0x0];
	_ =	sdelay $0x2  }
0x41: {  	v3 =	vmul.f32 v1, v3;
	_ =	sdelay $0x1  }
0x42: {  	v3 =	vadd.f32 v3, v4;
	_ =	sdelay $0x1  }
0x43: {  	[tilespmem:s18+$0x68A0] =	vst v3  }
0x44: {  	v3 =	vld [tilespmem:s17+$0x2A];
	_ =	sdelay $0x1  }
0x45: {  	v4 =	vld [tilespmem:s17+$0x1A];
	_ =	sdelay $0x2  }
0x46: {  	v3 =	vmul.f32 v1, v3;
	_ =	sdelay $0x1  }
0x47: {  	v3 =	vadd.f32 v3, v4;
	_ =	sdelay $0x1  }
0x48: {  	s17 =	simm.s32 $0x0;
	[tilespmem:s18+$0x68B0] =	vst v3  }
0x49: {  	v3 =	vld [tilespmem:s17+$0x68B8]  }
0x4a: {  	v5 =	vld [tilespmem:s17+$0x68A8]  }
0x4b: {  	v6 =	vld [tilespmem:s17+$0x6898]  }
0x4c: {  	v4 =	vld [tilespmem:s17+$0x6888]  }
0x4d: {  	v7 =	vld [tilespmem:s17+$0x68B0]  }
0x4e: {  	v8 =	vld [tilespmem:s17+$0x68A0]  }
0x4f: {  	s19 =	simm.s32 $0x100;
	s18 =	simm.s32 $0x0;
	v9 =	vld [tilespmem:s17+$0x6890]  }
.LBB2_4:
0x50: {  	p0 =	sne.s32 s19, $0x7F00;
	v10 =	vld [tilespmem:s18+$0x6880];
	s20 =	smov.u32 s19;
	s19 =	sadd.s32 $0x100, s19  }
0x51: {  	_ = 	snop  }
0x52: {  	v3 =	vadd.f32 v3, v7  }
0x53: {  	v5 =	vadd.f32 v5, v8  }
0x54: {  	s20 =	sshra.s32 s20, $0x2;
	v6 =	vadd.f32 v6, v9;
	[tilespmem:s18+$0x68B0] =	vst v3  }
0x55: {  	v3 =	vld [tilespmem:s20+$0x68B8];
	v4 =	vadd.f32 v4, v10;
	[tilespmem:s18+$0x68A0] =	vst v5  }
0x56: {  	v5 =	vld [tilespmem:s20+$0x68A8];
	[tilespmem:s18+$0x6890] =	vst v6  }
.Ltmp1:
0x57: {  	v6 =	vld [tilespmem:s20+$0x6898];
	[tilespmem:s18+$0x6880] =	vst v4;
	s18 =	smov.u32 s20;
	(pc) =	sbr.rel @p0 .LBB2_4-.Ltmp1, $4  }
0x58: {  	v4 =	vld [tilespmem:s18+$0x6888]  }
0x59: {  	v7 =	vld [tilespmem:s18+$0x68B0]  }
0x5a: {  	v8 =	vld [tilespmem:s18+$0x68A0]  }
0x5b: {  	v9 =	vld [tilespmem:s18+$0x6890]  }
0x5c: {  	v10 =	vld [tilespmem:s18+$0x6880];
	_ =	sdelay $0x1  }
0x5d: {  	v3 =	vadd.f32 v3, v7  }
0x5e: {  	v5 =	vadd.f32 v5, v8  }
0x5f: {  	v6 =	vadd.f32 v6, v9;
	[tilespmem:s18+$0x68B0] =	vst v3  }
0x60: {  	v3 =	vadd.f32 v4, v10;
	[tilespmem:s18+$0x68A0] =	vst v5  }
0x61: {  	[tilespmem:s18+$0x6890] =	vst v6  }
0x62: {  	[tilespmem:s18+$0x6880] =	vst v3  }
0x63: {  	v3 =	vld [tilespmem:s17+$0x68B4]  }
0x64: {  	v5 =	vld [tilespmem:s17+$0x68A4]  }
0x65: {  	v6 =	vld [tilespmem:s17+$0x6894]  }
0x66: {  	v4 =	vld [tilespmem:s17+$0x6884]  }
0x67: {  	v7 =	vld [tilespmem:s17+$0x68B0]  }
0x68: {  	v8 =	vld [tilespmem:s17+$0x68A0]  }
0x69: {  	s18 =	simm.s32 $0x100;
	v9 =	vld [tilespmem:s17+$0x6890]  }
.LBB2_6:
0x6a: {  	p0 =	sne.s32 s18, $0x7F00;
	v10 =	vld [tilespmem:s17+$0x6880];
	s19 =	smov.u32 s18;
	s18 =	sadd.s32 $0x100, s18  }
0x6b: {  	_ = 	snop  }
0x6c: {  	v3 =	vadd.f32 v3, v7  }
0x6d: {  	v5 =	vadd.f32 v5, v8  }
0x6e: {  	s19 =	sshra.s32 s19, $0x2;
	v6 =	vadd.f32 v6, v9;
	[tilespmem:s17+$0x68B0] =	vst v3  }
0x6f: {  	v3 =	vld [tilespmem:s19+$0x68B4];
	v4 =	vadd.f32 v4, v10;
	[tilespmem:s17+$0x68A0] =	vst v5  }
0x70: {  	v5 =	vld [tilespmem:s19+$0x68A4];
	[tilespmem:s17+$0x6890] =	vst v6  }
.Ltmp2:
0x71: {  	v6 =	vld [tilespmem:s19+$0x6894];
	[tilespmem:s17+$0x6880] =	vst v4;
	s17 =	smov.u32 s19;
	(pc) =	sbr.rel @p0 .LBB2_6-.Ltmp2, $4  }
0x72: {  	v4 =	vld [tilespmem:s17+$0x6884]  }
0x73: {  	v7 =	vld [tilespmem:s17+$0x68B0]  }
0x74: {  	v8 =	vld [tilespmem:s17+$0x68A0]  }
0x75: {  	v9 =	vld [tilespmem:s17+$0x6890]  }
0x76: {  	v10 =	vld [tilespmem:s17+$0x6880];
	_ =	sdelay $0x1  }
0x77: {  	v3 =	vadd.f32 v3, v7  }
0x78: {  	v5 =	vadd.f32 v5, v8  }
0x79: {  	v6 =	vadd.f32 v6, v9;
	[tilespmem:s17+$0x68B0] =	vst v3  }
0x7a: {  	v3 =	vadd.f32 v4, v10;
	[tilespmem:s17+$0x68A0] =	vst v5  }
0x7b: {  	[tilespmem:s17+$0x6890] =	vst v6  }
0x7c: {  	[tilespmem:s17+$0x6880] =	vst v3;
	s17 =	simm.s32 $0x0  }
0x7d: {  	v3 =	vld [tilespmem:s17+$0x68B2]  }
0x7e: {  	v5 =	vld [tilespmem:s17+$0x68A2]  }
0x7f: {  	v6 =	vld [tilespmem:s17+$0x6892]  }
0x80: {  	v4 =	vld [tilespmem:s17+$0x6882]  }
0x81: {  	v7 =	vld [tilespmem:s17+$0x68B0]  }
0x82: {  	v8 =	vld [tilespmem:s17+$0x68A0]  }
0x83: {  	s19 =	simm.s32 $0x100;
	s18 =	simm.s32 $0x0;
	v9 =	vld [tilespmem:s17+$0x6890]  }
.LBB2_8:
0x84: {  	p0 =	sne.s32 s19, $0x7F00;
	v10 =	vld [tilespmem:s18+$0x6880];
	s20 =	smov.u32 s19;
	s19 =	sadd.s32 $0x100, s19  }
0x85: {  	_ = 	snop  }
0x86: {  	v3 =	vadd.f32 v3, v7  }
0x87: {  	v5 =	vadd.f32 v5, v8  }
0x88: {  	s20 =	sshra.s32 s20, $0x2;
	v6 =	vadd.f32 v6, v9;
	[tilespmem:s18+$0x68B0] =	vst v3  }
0x89: {  	v3 =	vld [tilespmem:s20+$0x68B2];
	v4 =	vadd.f32 v4, v10;
	[tilespmem:s18+$0x68A0] =	vst v5  }
0x8a: {  	v5 =	vld [tilespmem:s20+$0x68A2];
	[tilespmem:s18+$0x6890] =	vst v6  }
.Ltmp3:
0x8b: {  	v6 =	vld [tilespmem:s20+$0x6892];
	[tilespmem:s18+$0x6880] =	vst v4;
	s18 =	smov.u32 s20;
	(pc) =	sbr.rel @p0 .LBB2_8-.Ltmp3, $4  }
0x8c: {  	v4 =	vld [tilespmem:s18+$0x6882]  }
0x8d: {  	v7 =	vld [tilespmem:s18+$0x68B0]  }
0x8e: {  	v8 =	vld [tilespmem:s18+$0x68A0]  }
0x8f: {  	v9 =	vld [tilespmem:s18+$0x6890]  }
0x90: {  	v10 =	vld [tilespmem:s18+$0x6880];
	_ =	sdelay $0x1  }
0x91: {  	v3 =	vadd.f32 v3, v7  }
0x92: {  	v5 =	vadd.f32 v5, v8  }
0x93: {  	v6 =	vadd.f32 v6, v9;
	[tilespmem:s18+$0x68B0] =	vst v3  }
0x94: {  	v3 =	vadd.f32 v4, v10;
	[tilespmem:s18+$0x68A0] =	vst v5  }
0x95: {  	[tilespmem:s18+$0x6890] =	vst v6  }
0x96: {  	[tilespmem:s18+$0x6880] =	vst v3;
	s18 =	simm.s32 $0x68A0  }
0x97: {  	v3 =	vld [tilespmem:s18+$0xFFFFFFE0]  }
0x98: {  	v4 =	vld [tilespmem:s18+$0xFFFFFFE1];
	_ =	sdelay $0x4  }
0x99: {  	v3 =	vadd.f32 v4, v3;
	_ =	sdelay $0x1  }
0x9a: {  	v3 =	vadd.f32 v3, v2;
	_ =	sdelay $0x1  }
0x9b: {  	[tilespmem:s17+$0x8900] =	vst v3  }
0x9c: {  	v3 =	vld [tilespmem:s18+$0xFFFFFFF0]  }
0x9d: {  	v4 =	vld [tilespmem:s18+$0xFFFFFFF1];
	_ =	sdelay $0x4  }
0x9e: {  	v3 =	vadd.f32 v4, v3;
	_ =	sdelay $0x1  }
0x9f: {  	v3 =	vadd.f32 v3, v2;
	_ =	sdelay $0x1  }
0xa0: {  	[tilespmem:s17+$0x8980] =	vst v3  }
0xa1: {  	v3 =	vld [tilespmem:s18+$0x0]  }
0xa2: {  	v4 =	vld [tilespmem:s18+$0x1];
	_ =	sdelay $0x4  }
0xa3: {  	v3 =	vadd.f32 v4, v3;
	_ =	sdelay $0x1  }
0xa4: {  	v3 =	vadd.f32 v3, v2;
	_ =	sdelay $0x1  }
0xa5: {  	[tilespmem:s17+$0x8A00] =	vst v3  }
0xa6: {  	v3 =	vld [tilespmem:s18+$0x10]  }
0xa7: {  	v4 =	vld [tilespmem:s18+$0x11];
	_ =	sdelay $0x4  }
0xa8: {  	s19 =	simm.s32 $0x800;
	v3 =	vadd.f32 v4, v3  }
.LBB2_10:
0xa9: {  	p0 =	sne.s32 s19, $0x3F800  }
0xaa: {  	s18 =	sadd.s32 $0x40, s18;
	s20 =	smov.u32 s19;
	s19 =	sadd.s32 $0x800, s19  }
0xab: {  	v3 =	vadd.f32 v3, v2;
	_ =	sdelay $0x1  }
0xac: {  	[tilespmem:s17+$0x8A80] =	vst v3  }
0xad: {  	v3 =	vld [tilespmem:s18+$0xFFFFFFE0]  }
0xae: {  	v4 =	vld [tilespmem:s18+$0xFFFFFFE1];
	_ =	sdelay $0x4  }
0xaf: {  	v3 =	vadd.f32 v4, v3;
	_ =	sdelay $0x1  }
0xb0: {  	v3 =	vadd.f32 v3, v2  }
0xb1: {  	s17 =	sshra.s32 s20, $0x2  }
0xb2: {  	[tilespmem:s17+$0x8900] =	vst v3  }
0xb3: {  	v3 =	vld [tilespmem:s18+$0xFFFFFFF0]  }
0xb4: {  	v4 =	vld [tilespmem:s18+$0xFFFFFFF1];
	_ =	sdelay $0x4  }
0xb5: {  	v3 =	vadd.f32 v4, v3;
	_ =	sdelay $0x1  }
0xb6: {  	v3 =	vadd.f32 v3, v2;
	_ =	sdelay $0x1  }
0xb7: {  	[tilespmem:s17+$0x8980] =	vst v3  }
0xb8: {  	v3 =	vld [tilespmem:s18+$0x0]  }
0xb9: {  	v4 =	vld [tilespmem:s18+$0x1];
	_ =	sdelay $0x4  }
0xba: {  	v3 =	vadd.f32 v4, v3;
	_ =	sdelay $0x1  }
0xbb: {  	v3 =	vadd.f32 v3, v2;
	_ =	sdelay $0x1  }
0xbc: {  	[tilespmem:s17+$0x8A00] =	vst v3  }
0xbd: {  	v3 =	vld [tilespmem:s18+$0x10]  }
0xbe: {  	v4 =	vld [tilespmem:s18+$0x11]  }
.Ltmp4:
0xbf: {  	(pc) =	sbr.rel @p0 .LBB2_10-.Ltmp4, $2  }
0xc0: {  	_ =	sdelay $0x2  }
0xc1: {  	v3 =	vadd.f32 v4, v3  }
0xc2: {  	_ = 	snop  }
0xc3: {  	v2 =	vadd.f32 v3, v2;
	_ =	sdelay $0x1  }
0xc4: {  	s18 =	sadd.s32 $0x0, s6;
	[tilespmem:s17+$0x8A80] =	vst v2;
	s17 =	simm.s32 $0x8900  }
0xc5: {  	[spmem:s18] =	stream.linear.scatter [tilespmem:s17], [sflag:$0x2], $0x1, $0x38;
	[tilespmem:$0x18D80] =	vst v63  }
0xc6: {  	s18 =	simm.s32 $0x4  }
.LBB2_12:
0xc7: {  	p0 =	sne.s32 s18, $0x7FC  }
.Ltmp5:
0xc8: {  	_ = 	snop;
	(pc) =	sbr.rel @p0 .LBB2_12-.Ltmp5, $4  }
0xc9: {  	_ = 	snop  }
0xca: {  	s19 =	sshra.s32 s18, $0x2;
	s18 =	sadd.s32 $0x4, s18  }
0xcb: {  	s17 =	sadd.s32 $0x80, s17;
	s19 =	sadd.s32 s19, s6  }
0xcc: {  	[spmem:s19] =	stream.linear.scatter [tilespmem:s17], [sflag:$0x2], $0x1, $0x38;
	[tilespmem:$0x18D80] =	vst v63  }
0xcd: {  	_ =	swait.ge [sflag:s11], $0x200  }
0xce: {  	[sflag:s11] =	ssyncset.done $0x0  }
0xcf: {  	[sflag:s11] =	ssyncadd.s32 $0xFFFFFE00  }
0xd0: {  	[tilespmem:s15], [sflag:$0x2] =	stream.linear.gather [spmem:s6], $0x200, $0x38;
	[tilespmem:$0x18D80] =	vst v63  }
0xd1: {  	s16 =	sadd.s32 $0x1, s16;
	_ =	swait.ge [sflag:s11], $0x200  }
0xd2: {  	p0 =	sne.s32 s16, s8;
	[sflag:s11] =	ssyncset.done $0x0  }
.Ltmp6:
0xd3: {  	[sflag:s11] =	ssyncadd.s32 $0xFFFFFE00;
	(pc) =	sbr.rel @p0 .LBB2_1-.Ltmp6, $4  }
0xd4: {  	[hbm4b:s7+s9] =	stream.strided.scatter [tilespmem:s15], [sflag:$0x2], $0x200, s10, s9, $0x38;
	[tilespmem:$0x18D80] =	vst v63  }
0xd5: {  	_ =	swait.ge [sflag:s11], $0x200  }
0xd6: {  	[sflag:s11] =	ssyncset.done $0x0  }
0xd7: {  	[sflag:s11] =	ssyncadd.s32 $0xFFFFFE00  }
0xd8: {  	_ =	sfence.sel $0x180000  }
0xd9: {  	[bflag:$0x0] =	sbarrier.arrive $0xFFFF  }
0xda: {  	p0 =	sne.s32 s0, $0x0;
	_ =	strace $0x90000047  }
0xdb: {  	s0 =	sadd.s32 @!p0 $0x100000, s1;
	[bflag:$0x2] =	sbarrier.arrive $0xFFFF  }
0xdc: {  	[sflag:s0] =	ssyncadd.tile.s32 @!p0 $0x1;
	_ =	shalt  }
.Lfunc_end2:
_tile_overlayer_lowered:
.L_overlay_start_2:
0xdd: {  	(tag) =	ssettag $0x2  }
0xde: {  	s0 =	rddreg [dreg:$0x0];
	s2 =	stileid.u32  }
0xdf: {  	s1 =	rddreg [dreg:$0x1];
	p0 =	sne.s32 s2, $0x0  }
0xe0: {  	s3 =	rddreg [dreg:$0x2];
	[bflag:$0x3] =	sbarrier.arrive $0xFFFF;
	s2 =	simm.s32 @!p0 $0x1C02  }
0xe1: {  	[timem:s3], [sflag:s2] =	dma.local @!p0 [hbm:s0], s1  }
0xe2: {  	s0 =	simm.s32 @!p0 $0x2  }
0xe3: {  	_ =	swait.ge @!p0 [sflag:s0], s1  }
0xe4: {  	s1 =	ssub.s32 @!p0 $0x0, s1;
	[sflag:s0] =	ssyncset.done @!p0 $0x0  }
0xe5: {  	[sflag:s0] =	ssyncadd.s32 @!p0 s1  }
0xe6: {  	[bflag:$0x3] =	sbarrier.arrive $0xFFFF  }
0xe7: {  	_ =	shalt  }

</sc_bundles>
